<compile_context>
chip_gen: v7x
topology: tpu7x:2x2x1
jax: 0.10.2.dev20260603
libtpu: 0.0.44.dev20260713+nightly
codegen_flags: <defaults>
</compile_context>

<pallas_src>
import functools

import jax
import jax.numpy as jnp
from jax import lax
from jax.experimental import pallas as pl
from jax.experimental.pallas import tpu as pltpu
from jax.experimental.pallas import tpu_sc as plsc

_NUM_CORES = 2
_NUM_SUBCORES = 16
_NW = _NUM_CORES * _NUM_SUBCORES
_CHUNK = 128
_RING = 6


def _sc_gather(cos_cached, sin_cached, idx):
    bsz, l = idx.shape
    d = cos_cached.shape[1]
    n = bsz * l
    per_w = n // _NW
    n_chunks = per_w // _CHUNK
    w_per_b = _NW // bsz
    mesh = plsc.VectorSubcoreMesh(core_axis_name="c", subcore_axis_name="s")

    @functools.partial(
        pl.kernel,
        mesh=mesh,
        out_type=(
            jax.ShapeDtypeStruct((bsz, 1, l, d), jnp.float32),
            jax.ShapeDtypeStruct((bsz, 1, l, d), jnp.float32),
        ),
        scratch_types=[
            pltpu.VMEM((per_w,), jnp.int32),
            pltpu.VMEM((_RING, _CHUNK, d), jnp.float32),
        ]
        + [pltpu.SemaphoreType.DMA] * (2 * _RING),
    )
    def body(cos_hbm, sin_hbm, idx_hbm, cos_out, sin_out, idx_v, bufs, *sems):
        gsem = sems[:_RING]
        wsem = sems[_RING:]
        wid = lax.axis_index("s") * _NUM_CORES + lax.axis_index("c")
        bb = wid // w_per_b
        ofs = (wid % w_per_b) * per_w
        pltpu.sync_copy(idx_hbm.at[bb, pl.ds(ofs, per_w)], idx_v)

        xfers = []
        for j in range(n_chunks):
            xfers.append((j, cos_hbm, cos_out))
        for j in range(n_chunks):
            xfers.append((j, sin_hbm, sin_out))
        nx = len(xfers)

        def start_gather(i, b):
            j, tab, _ = xfers[i]
            return pltpu.async_copy(
                tab.at[idx_v.at[pl.ds(j * _CHUNK, _CHUNK)]], bufs.at[b],
                gsem[b])

        g = [None] * _RING
        w = [None] * _RING
        for i in range(min(nx, _RING)):
            g[i] = start_gather(i, i)
        for i in range(nx):
            b = i % _RING
            j, _, out_hbm = xfers[i]
            g[b].wait()
            w[b] = pltpu.async_copy(
                bufs.at[b],
                out_hbm.at[bb, 0, pl.ds(ofs + j * _CHUNK, _CHUNK)],
                wsem[b])
            if i + _RING < nx:
                w[b].wait()
                g[b] = start_gather(i + _RING, b)
        for i in range(max(nx - _RING, 0), nx):
            w[i % _RING].wait()

    return body(cos_cached, sin_cached, idx)


def kernel(x, position_ids, cos_cached, sin_cached):
    bsz, l = position_ids.shape
    assert (bsz * l) % (_NW * _CHUNK) == 0
    idx = position_ids.astype(jnp.int32)
    cos, sin = _sc_gather(cos_cached, sin_cached, idx)
    return cos.astype(x.dtype), sin.astype(x.dtype)

# --- scband reference (transcript-rebuilt; emitter-appended) ---
"""Pipeline reference for scband-rotary-embedding-19481971654840 (READ-ONLY COPY).

The authoritative reference and input builder live on the scoring server;
editing this copy changes nothing except your own understanding.
"""

import jax, jax.numpy as jnp
import numpy as np

DIM = 128
MAX_POS = 32768
BASE = 1000000.0
B, H, L = 2, 32, 8192

def _build_caches():
    inv_freq = 1.0 / (BASE ** (jnp.arange(0, DIM, 2, dtype=jnp.float32) / DIM))
    t = jnp.arange(MAX_POS, dtype=jnp.float32)
    freqs = jnp.outer(t, inv_freq)
    emb = jnp.concatenate([freqs, freqs], axis=-1)
    return jnp.cos(emb), jnp.sin(emb)

def setup_inputs(seed: int = 0) -> dict:
    key = jax.random.key(seed)
    k1, k2 = jax.random.split(key)
    x = jax.random.normal(k1, (B, H, L, DIM), dtype=jnp.float32)
    position_ids = jax.random.randint(k2, (B, L), 0, MAX_POS, dtype=jnp.int64 if jax.config.jax_enable_x64 else jnp.int32)
    cos_cached, sin_cached = _build_caches()
    return {"x": x, "position_ids": position_ids, "cos_cached": cos_cached, "sin_cached": sin_cached}

def reference(x, position_ids, cos_cached, sin_cached):
    # cos_cached/sin_cached: [MAX_POS, DIM]; position_ids: [B, L]
    cos = jnp.take(cos_cached, position_ids, axis=0)[:, None, :, :]  # [B,1,L,DIM]
    sin = jnp.take(sin_cached, position_ids, axis=0)[:, None, :, :]
    return (cos.astype(x.dtype), sin.astype(x.dtype))

if __name__ == "__main__":
    import jax
    _d = setup_inputs()
    print(jax.jit(kernel)(*tuple(_d.values())))

</pallas_src>

<mosaic_0001>
#map = affine_map<(d0, d1) -> (0, 0)>
#map1 = affine_map<(d0, d1) -> (0, 0, 0, 0)>
module attributes {stable_mosaic.version = 14 : i64} {
  func.func @body(%arg0: i32, %arg1: i32, %arg2: memref<32768x128xf32, #tpu.memory_space<hbm>>, %arg3: memref<32768x128xf32, #tpu.memory_space<hbm>>, %arg4: memref<2x8192xi32, #tpu.memory_space<hbm>>, %arg5: memref<2x1x8192x128xf32, #tpu.memory_space<hbm>>, %arg6: memref<2x1x8192x128xf32, #tpu.memory_space<hbm>>, %arg7: memref<512xi32, #tpu.memory_space<vmem>>, %arg8: memref<6x128x128xf32, #tpu.memory_space<vmem>>, %arg9: memref<!tpu.dma_semaphore, #tpu.memory_space<semaphore_mem>>, %arg10: memref<!tpu.dma_semaphore, #tpu.memory_space<semaphore_mem>>, %arg11: memref<!tpu.dma_semaphore, #tpu.memory_space<semaphore_mem>>, %arg12: memref<!tpu.dma_semaphore, #tpu.memory_space<semaphore_mem>>, %arg13: memref<!tpu.dma_semaphore, #tpu.memory_space<semaphore_mem>>, %arg14: memref<!tpu.dma_semaphore, #tpu.memory_space<semaphore_mem>>, %arg15: memref<!tpu.dma_semaphore, #tpu.memory_space<semaphore_mem>>, %arg16: memref<!tpu.dma_semaphore, #tpu.memory_space<semaphore_mem>>, %arg17: memref<!tpu.dma_semaphore, #tpu.memory_space<semaphore_mem>>, %arg18: memref<!tpu.dma_semaphore, #tpu.memory_space<semaphore_mem>>, %arg19: memref<!tpu.dma_semaphore, #tpu.memory_space<semaphore_mem>>, %arg20: memref<!tpu.dma_semaphore, #tpu.memory_space<semaphore_mem>>) attributes {dimension_semantics = [#tpu.dimension_semantics<core_parallel>, #tpu.dimension_semantics<subcore_parallel>], iteration_bounds = array<i64: 2, 16>, scalar_prefetch = 0 : i64, scratch_operands = 14 : i64, tpu.core_type = #tpu.core_type<sc_vector_subcore>, window_params = [{transform_indices = #map}, {transform_indices = #map}, {transform_indices = #map}, {transform_indices = #map1}, {transform_indices = #map1}]} {
    %mul3A = arith.constant 2 : i32
    %mul3A_0 = arith.muli %arg1, %mul3A : i32
    %add3A = arith.addi %mul3A_0, %arg0 : i32
    %jit3A = arith.constant 16 : i32
    %div3A = arith.divsi %add3A, %jit3A : i32
    %sign3A = arith.constant 0 : i32
    %sign3A_1 = arith.cmpi sgt, %add3A, %sign3A : i32
    %sign3A_2 = arith.extui %sign3A_1 : i1 to i32
    %sign3A_3 = arith.constant 0 : i32
    %sign3A_4 = arith.cmpi slt, %add3A, %sign3A_3 : i32
    %sign3A_5 = arith.extui %sign3A_4 : i1 to i32
    %sign3A_6 = arith.subi %sign3A_2, %sign3A_5 : i32
    %sign3A_7 = arith.constant 0 : i32
    %sign3A_8 = arith.cmpi sgt, %jit3A, %sign3A_7 : i32
    %sign3A_9 = arith.extui %sign3A_8 : i1 to i32
    %sign3A_10 = arith.constant 0 : i32
    %sign3A_11 = arith.cmpi slt, %jit3A, %sign3A_10 : i32
    %sign3A_12 = arith.extui %sign3A_11 : i1 to i32
    %sign3A_13 = arith.subi %sign3A_9, %sign3A_12 : i32
    %ne3A = arith.cmpi ne, %sign3A_6, %sign3A_13 : i32
    %rem3A = arith.remsi %add3A, %jit3A : i32
    %ne3A_14 = arith.constant 0 : i32
    %ne3A_15 = arith.cmpi ne, %rem3A, %ne3A_14 : i32
    %and3A = arith.andi %ne3A, %ne3A_15 : i1
    %sub3A = arith.constant 1 : i32
    %sub3A_16 = arith.subi %div3A, %sub3A : i32
    %select_n3A = arith.select %and3A, %sub3A_16, %div3A : i32
    %jit3A_17 = arith.constant 16 : i32
    %eq3A = arith.constant 0 : i32
    %eq3A_18 = arith.cmpi eq, %jit3A_17, %eq3A : i32
    %jit3A_19 = arith.constant 1 : i32
    %select_n3A_20 = arith.select %eq3A_18, %jit3A_19, %jit3A_17 : i32
    %rem3A_21 = arith.remsi %add3A, %select_n3A_20 : i32
    %ne3A_22 = arith.constant 0 : i32
    %ne3A_23 = arith.cmpi ne, %rem3A_21, %ne3A_22 : i32
    %lt3A = arith.constant 0 : i32
    %lt3A_24 = arith.cmpi slt, %rem3A_21, %lt3A : i32
    %lt3A_25 = arith.constant 0 : i32
    %lt3A_26 = arith.cmpi slt, %select_n3A_20, %lt3A_25 : i32
    %ne3A_27 = arith.xori %lt3A_24, %lt3A_26 : i1
    %and3A_28 = arith.andi %ne3A_27, %ne3A_23 : i1
    %add3A_29 = arith.addi %rem3A_21, %select_n3A_20 : i32
    %select_n3A_30 = arith.select %and3A_28, %add3A_29, %rem3A_21 : i32
    %mul3A_31 = arith.constant 512 : i32
    %mul3A_32 = arith.muli %select_n3A_30, %mul3A_31 : i32
    "tpu.region"() ({
      %run_scoped3A = tpu.sem_alloc : memref<!tpu.dma_semaphore, #tpu.memory_space<semaphore_mem>>
      %dma_start3A_463 = tpu.memref_slice %arg4[%select_n3A, %mul3A_32] : memref<2x8192xi32, #tpu.memory_space<hbm>> -> memref<1x512xi32, #tpu.memory_space<hbm>>
      %dma_start3A_464 = tpu.memref_squeeze %dma_start3A_463 : memref<1x512xi32, #tpu.memory_space<hbm>> -> memref<512xi32, #tpu.memory_space<hbm>>
      %dma_start3A_465 = tpu.memref_slice %arg4[%select_n3A, %mul3A_32] : memref<2x8192xi32, #tpu.memory_space<hbm>> -> memref<1x512xi32, #tpu.memory_space<hbm>>
      %dma_start3A_466 = tpu.memref_squeeze %dma_start3A_465 : memref<1x512xi32, #tpu.memory_space<hbm>> -> memref<512xi32, #tpu.memory_space<hbm>>
      tpu.enqueue_dma source(%dma_start3A_466 : memref<512xi32, #tpu.memory_space<hbm>>) target(%arg7 : memref<512xi32, #tpu.memory_space<vmem>>) target_semaphore(%run_scoped3A : memref<!tpu.dma_semaphore, #tpu.memory_space<semaphore_mem>>)
      %dma_wait3A_467 = tpu.memref_slice %arg4[%select_n3A, %mul3A_32] : memref<2x8192xi32, #tpu.memory_space<hbm>> -> memref<1x512xi32, #tpu.memory_space<hbm>>
      %dma_wait3A_468 = tpu.memref_squeeze %dma_wait3A_467 : memref<1x512xi32, #tpu.memory_space<hbm>> -> memref<512xi32, #tpu.memory_space<hbm>>
      %dma_wait3A_469 = tpu.memref_slice %arg4[%select_n3A, %mul3A_32] : memref<2x8192xi32, #tpu.memory_space<hbm>> -> memref<1x512xi32, #tpu.memory_space<hbm>>
      %dma_wait3A_470 = tpu.memref_squeeze %dma_wait3A_469 : memref<1x512xi32, #tpu.memory_space<hbm>> -> memref<512xi32, #tpu.memory_space<hbm>>
      tpu.wait_dma2 semaphore(%run_scoped3A : memref<!tpu.dma_semaphore, #tpu.memory_space<semaphore_mem>>) src(%dma_wait3A_470 : memref<512xi32, #tpu.memory_space<hbm>>) dst(%arg7 : memref<512xi32, #tpu.memory_space<vmem>>)
      tpu.yield
    }) : () -> ()
    %dma_start3A = arith.constant 0 : i32
    %dma_start3A_33 = arith.constant 0 : i32
    %dma_start3A_34 = arith.constant 0 : i32
    %dma_start3A_35 = tpu.memref_slice %arg8[%dma_start3A, %dma_start3A_33, %dma_start3A_34] : memref<6x128x128xf32, #tpu.memory_space<vmem>> -> memref<1x128x128xf32, #tpu.memory_space<vmem>>
    %dma_start3A_36 = tpu.memref_squeeze %dma_start3A_35 : memref<1x128x128xf32, #tpu.memory_space<vmem>> -> memref<128x128xf32, #tpu.memory_space<vmem>>
    %dma_start3A_37 = arith.constant 0 : i32
    %dma_start3A_38 = tpu.memref_slice %arg7[%dma_start3A_37] : memref<512xi32, #tpu.memory_space<vmem>> -> memref<128xi32, #tpu.memory_space<vmem>>
    %dma_start3A_39 = arith.constant 0 : i32
    %dma_start3A_40 = arith.constant 0 : i32
    %dma_start3A_41 = tpu.memref_slice %arg2[%dma_start3A_39, %dma_start3A_40] : memref<32768x128xf32, #tpu.memory_space<hbm>> -> memref<32768x128xf32, #tpu.memory_space<hbm>>
    tpu.enqueue_indirect_dma source(%dma_start3A_41 : memref<32768x128xf32, #tpu.memory_space<hbm>>) target(%dma_start3A_36 : memref<128x128xf32, #tpu.memory_space<vmem>>) offsets(%dma_start3A_38 : memref<128xi32, #tpu.memory_space<vmem>>) semaphore(%arg9 : memref<!tpu.dma_semaphore, #tpu.memory_space<semaphore_mem>>)
    %dma_start3A_42 = arith.constant 1 : i32
    %dma_start3A_43 = arith.constant 0 : i32
    %dma_start3A_44 = arith.constant 0 : i32
    %dma_start3A_45 = tpu.memref_slice %arg8[%dma_start3A_42, %dma_start3A_43, %dma_start3A_44] : memref<6x128x128xf32, #tpu.memory_space<vmem>> -> memref<1x128x128xf32, #tpu.memory_space<vmem>>
    %dma_start3A_46 = tpu.memref_squeeze %dma_start3A_45 : memref<1x128x128xf32, #tpu.memory_space<vmem>> -> memref<128x128xf32, #tpu.memory_space<vmem>>
    %dma_start3A_47 = arith.constant 128 : i32
    %dma_start3A_48 = tpu.memref_slice %arg7[%dma_start3A_47] : memref<512xi32, #tpu.memory_space<vmem>> -> memref<128xi32, #tpu.memory_space<vmem>>
    %dma_start3A_49 = arith.constant 0 : i32
    %dma_start3A_50 = arith.constant 0 : i32
    %dma_start3A_51 = tpu.memref_slice %arg2[%dma_start3A_49, %dma_start3A_50] : memref<32768x128xf32, #tpu.memory_space<hbm>> -> memref<32768x128xf32, #tpu.memory_space<hbm>>
    tpu.enqueue_indirect_dma source(%dma_start3A_51 : memref<32768x128xf32, #tpu.memory_space<hbm>>) target(%dma_start3A_46 : memref<128x128xf32, #tpu.memory_space<vmem>>) offsets(%dma_start3A_48 : memref<128xi32, #tpu.memory_space<vmem>>) semaphore(%arg10 : memref<!tpu.dma_semaphore, #tpu.memory_space<semaphore_mem>>)
    %dma_start3A_52 = arith.constant 2 : i32
    %dma_start3A_53 = arith.constant 0 : i32
    %dma_start3A_54 = arith.constant 0 : i32
    %dma_start3A_55 = tpu.memref_slice %arg8[%dma_start3A_52, %dma_start3A_53, %dma_start3A_54] : memref<6x128x128xf32, #tpu.memory_space<vmem>> -> memref<1x128x128xf32, #tpu.memory_space<vmem>>
    %dma_start3A_56 = tpu.memref_squeeze %dma_start3A_55 : memref<1x128x128xf32, #tpu.memory_space<vmem>> -> memref<128x128xf32, #tpu.memory_space<vmem>>
    %dma_start3A_57 = arith.constant 256 : i32
    %dma_start3A_58 = tpu.memref_slice %arg7[%dma_start3A_57] : memref<512xi32, #tpu.memory_space<vmem>> -> memref<128xi32, #tpu.memory_space<vmem>>
    %dma_start3A_59 = arith.constant 0 : i32
    %dma_start3A_60 = arith.constant 0 : i32
    %dma_start3A_61 = tpu.memref_slice %arg2[%dma_start3A_59, %dma_start3A_60] : memref<32768x128xf32, #tpu.memory_space<hbm>> -> memref<32768x128xf32, #tpu.memory_space<hbm>>
    tpu.enqueue_indirect_dma source(%dma_start3A_61 : memref<32768x128xf32, #tpu.memory_space<hbm>>) target(%dma_start3A_56 : memref<128x128xf32, #tpu.memory_space<vmem>>) offsets(%dma_start3A_58 : memref<128xi32, #tpu.memory_space<vmem>>) semaphore(%arg11 : memref<!tpu.dma_semaphore, #tpu.memory_space<semaphore_mem>>)
    %dma_start3A_62 = arith.constant 3 : i32
    %dma_start3A_63 = arith.constant 0 : i32
    %dma_start3A_64 = arith.constant 0 : i32
    %dma_start3A_65 = tpu.memref_slice %arg8[%dma_start3A_62, %dma_start3A_63, %dma_start3A_64] : memref<6x128x128xf32, #tpu.memory_space<vmem>> -> memref<1x128x128xf32, #tpu.memory_space<vmem>>
    %dma_start3A_66 = tpu.memref_squeeze %dma_start3A_65 : memref<1x128x128xf32, #tpu.memory_space<vmem>> -> memref<128x128xf32, #tpu.memory_space<vmem>>
    %dma_start3A_67 = arith.constant 384 : i32
    %dma_start3A_68 = tpu.memref_slice %arg7[%dma_start3A_67] : memref<512xi32, #tpu.memory_space<vmem>> -> memref<128xi32, #tpu.memory_space<vmem>>
    %dma_start3A_69 = arith.constant 0 : i32
    %dma_start3A_70 = arith.constant 0 : i32
    %dma_start3A_71 = tpu.memref_slice %arg2[%dma_start3A_69, %dma_start3A_70] : memref<32768x128xf32, #tpu.memory_space<hbm>> -> memref<32768x128xf32, #tpu.memory_space<hbm>>
    tpu.enqueue_indirect_dma source(%dma_start3A_71 : memref<32768x128xf32, #tpu.memory_space<hbm>>) target(%dma_start3A_66 : memref<128x128xf32, #tpu.memory_space<vmem>>) offsets(%dma_start3A_68 : memref<128xi32, #tpu.memory_space<vmem>>) semaphore(%arg12 : memref<!tpu.dma_semaphore, #tpu.memory_space<semaphore_mem>>)
    %dma_start3A_72 = arith.constant 4 : i32
    %dma_start3A_73 = arith.constant 0 : i32
    %dma_start3A_74 = arith.constant 0 : i32
    %dma_start3A_75 = tpu.memref_slice %arg8[%dma_start3A_72, %dma_start3A_73, %dma_start3A_74] : memref<6x128x128xf32, #tpu.memory_space<vmem>> -> memref<1x128x128xf32, #tpu.memory_space<vmem>>
    %dma_start3A_76 = tpu.memref_squeeze %dma_start3A_75 : memref<1x128x128xf32, #tpu.memory_space<vmem>> -> memref<128x128xf32, #tpu.memory_space<vmem>>
    %dma_start3A_77 = arith.constant 0 : i32
    %dma_start3A_78 = tpu.memref_slice %arg7[%dma_start3A_77] : memref<512xi32, #tpu.memory_space<vmem>> -> memref<128xi32, #tpu.memory_space<vmem>>
    %dma_start3A_79 = arith.constant 0 : i32
    %dma_start3A_80 = arith.constant 0 : i32
    %dma_start3A_81 = tpu.memref_slice %arg3[%dma_start3A_79, %dma_start3A_80] : memref<32768x128xf32, #tpu.memory_space<hbm>> -> memref<32768x128xf32, #tpu.memory_space<hbm>>
    tpu.enqueue_indirect_dma source(%dma_start3A_81 : memref<32768x128xf32, #tpu.memory_space<hbm>>) target(%dma_start3A_76 : memref<128x128xf32, #tpu.memory_space<vmem>>) offsets(%dma_start3A_78 : memref<128xi32, #tpu.memory_space<vmem>>) semaphore(%arg13 : memref<!tpu.dma_semaphore, #tpu.memory_space<semaphore_mem>>)
    %dma_start3A_82 = arith.constant 5 : i32
    %dma_start3A_83 = arith.constant 0 : i32
    %dma_start3A_84 = arith.constant 0 : i32
    %dma_start3A_85 = tpu.memref_slice %arg8[%dma_start3A_82, %dma_start3A_83, %dma_start3A_84] : memref<6x128x128xf32, #tpu.memory_space<vmem>> -> memref<1x128x128xf32, #tpu.memory_space<vmem>>
    %dma_start3A_86 = tpu.memref_squeeze %dma_start3A_85 : memref<1x128x128xf32, #tpu.memory_space<vmem>> -> memref<128x128xf32, #tpu.memory_space<vmem>>
    %dma_start3A_87 = arith.constant 128 : i32
    %dma_start3A_88 = tpu.memref_slice %arg7[%dma_start3A_87] : memref<512xi32, #tpu.memory_space<vmem>> -> memref<128xi32, #tpu.memory_space<vmem>>
    %dma_start3A_89 = arith.constant 0 : i32
    %dma_start3A_90 = arith.constant 0 : i32
    %dma_start3A_91 = tpu.memref_slice %arg3[%dma_start3A_89, %dma_start3A_90] : memref<32768x128xf32, #tpu.memory_space<hbm>> -> memref<32768x128xf32, #tpu.memory_space<hbm>>
    tpu.enqueue_indirect_dma source(%dma_start3A_91 : memref<32768x128xf32, #tpu.memory_space<hbm>>) target(%dma_start3A_86 : memref<128x128xf32, #tpu.memory_space<vmem>>) offsets(%dma_start3A_88 : memref<128xi32, #tpu.memory_space<vmem>>) semaphore(%arg14 : memref<!tpu.dma_semaphore, #tpu.memory_space<semaphore_mem>>)
    %dma_wait3A = arith.constant 0 : i32
    %dma_wait3A_92 = arith.constant 0 : i32
    %dma_wait3A_93 = arith.constant 0 : i32
    %dma_wait3A_94 = tpu.memref_slice %arg8[%dma_wait3A, %dma_wait3A_92, %dma_wait3A_93] : memref<6x128x128xf32, #tpu.memory_space<vmem>> -> memref<1x128x128xf32, #tpu.memory_space<vmem>>
    %dma_wait3A_95 = tpu.memref_squeeze %dma_wait3A_94 : memref<1x128x128xf32, #tpu.memory_space<vmem>> -> memref<128x128xf32, #tpu.memory_space<vmem>>
    %dma_wait3A_96 = arith.constant 0 : i32
    %dma_wait3A_97 = tpu.memref_slice %arg7[%dma_wait3A_96] : memref<512xi32, #tpu.memory_space<vmem>> -> memref<128xi32, #tpu.memory_space<vmem>>
    %dma_wait3A_98 = arith.constant 0 : i32
    %dma_wait3A_99 = arith.constant 0 : i32
    %dma_wait3A_100 = tpu.memref_slice %arg2[%dma_wait3A_98, %dma_wait3A_99] : memref<32768x128xf32, #tpu.memory_space<hbm>> -> memref<32768x128xf32, #tpu.memory_space<hbm>>
    tpu.wait_indirect_dma semaphore(%arg9 : memref<!tpu.dma_semaphore, #tpu.memory_space<semaphore_mem>>) src(%dma_wait3A_100 : memref<32768x128xf32, #tpu.memory_space<hbm>>) dst(%dma_wait3A_95 : memref<128x128xf32, #tpu.memory_space<vmem>>)
    %add3A_101 = arith.constant 0 : i32
    %add3A_102 = arith.addi %mul3A_32, %add3A_101 : i32
    %dma_start3A_103 = arith.constant 0 : i32
    %dma_start3A_104 = arith.constant 0 : i32
    %dma_start3A_105 = arith.constant 0 : i32
    %dma_start3A_106 = arith.constant 0 : i32
    %dma_start3A_107 = tpu.memref_slice %arg8[%dma_start3A_103, %dma_start3A_105, %dma_start3A_106] : memref<6x128x128xf32, #tpu.memory_space<vmem>> -> memref<1x128x128xf32, #tpu.memory_space<vmem>>
    %dma_start3A_108 = tpu.memref_squeeze %dma_start3A_107 : memref<1x128x128xf32, #tpu.memory_space<vmem>> -> memref<128x128xf32, #tpu.memory_space<vmem>>
    %dma_start3A_109 = arith.constant 0 : i32
    %dma_start3A_110 = tpu.memref_slice %arg5[%select_n3A, %dma_start3A_104, %add3A_102, %dma_start3A_109] : memref<2x1x8192x128xf32, #tpu.memory_space<hbm>> -> memref<1x1x128x128xf32, #tpu.memory_space<hbm>>
    %dma_start3A_111 = tpu.memref_squeeze %dma_start3A_110 : memref<1x1x128x128xf32, #tpu.memory_space<hbm>> -> memref<128x128xf32, #tpu.memory_space<hbm>>
    %dma_start3A_112 = arith.constant 0 : i32
    %dma_start3A_113 = tpu.memref_slice %arg5[%select_n3A, %dma_start3A_104, %add3A_102, %dma_start3A_112] : memref<2x1x8192x128xf32, #tpu.memory_space<hbm>> -> memref<1x1x128x128xf32, #tpu.memory_space<hbm>>
    %dma_start3A_114 = tpu.memref_squeeze %dma_start3A_113 : memref<1x1x128x128xf32, #tpu.memory_space<hbm>> -> memref<128x128xf32, #tpu.memory_space<hbm>>
    %dma_start3A_115 = arith.constant 0 : i32
    %dma_start3A_116 = arith.constant 0 : i32
    %dma_start3A_117 = tpu.memref_slice %arg8[%dma_start3A_103, %dma_start3A_115, %dma_start3A_116] : memref<6x128x128xf32, #tpu.memory_space<vmem>> -> memref<1x128x128xf32, #tpu.memory_space<vmem>>
    %dma_start3A_118 = tpu.memref_squeeze %dma_start3A_117 : memref<1x128x128xf32, #tpu.memory_space<vmem>> -> memref<128x128xf32, #tpu.memory_space<vmem>>
    tpu.enqueue_dma source(%dma_start3A_118 : memref<128x128xf32, #tpu.memory_space<vmem>>) target(%dma_start3A_114 : memref<128x128xf32, #tpu.memory_space<hbm>>) target_semaphore(%arg15 : memref<!tpu.dma_semaphore, #tpu.memory_space<semaphore_mem>>)
    %dma_wait3A_119 = arith.constant 0 : i32
    %dma_wait3A_120 = arith.constant 0 : i32
    %dma_wait3A_121 = arith.constant 0 : i32
    %dma_wait3A_122 = arith.constant 0 : i32
    %dma_wait3A_123 = tpu.memref_slice %arg8[%dma_wait3A_119, %dma_wait3A_121, %dma_wait3A_122] : memref<6x128x128xf32, #tpu.memory_space<vmem>> -> memref<1x128x128xf32, #tpu.memory_space<vmem>>
    %dma_wait3A_124 = tpu.memref_squeeze %dma_wait3A_123 : memref<1x128x128xf32, #tpu.memory_space<vmem>> -> memref<128x128xf32, #tpu.memory_space<vmem>>
    %dma_wait3A_125 = arith.constant 0 : i32
    %dma_wait3A_126 = tpu.memref_slice %arg5[%select_n3A, %dma_wait3A_120, %add3A_102, %dma_wait3A_125] : memref<2x1x8192x128xf32, #tpu.memory_space<hbm>> -> memref<1x1x128x128xf32, #tpu.memory_space<hbm>>
    %dma_wait3A_127 = tpu.memref_squeeze %dma_wait3A_126 : memref<1x1x128x128xf32, #tpu.memory_space<hbm>> -> memref<128x128xf32, #tpu.memory_space<hbm>>
    %dma_wait3A_128 = arith.constant 0 : i32
    %dma_wait3A_129 = tpu.memref_slice %arg5[%select_n3A, %dma_wait3A_120, %add3A_102, %dma_wait3A_128] : memref<2x1x8192x128xf32, #tpu.memory_space<hbm>> -> memref<1x1x128x128xf32, #tpu.memory_space<hbm>>
    %dma_wait3A_130 = tpu.memref_squeeze %dma_wait3A_129 : memref<1x1x128x128xf32, #tpu.memory_space<hbm>> -> memref<128x128xf32, #tpu.memory_space<hbm>>
    %dma_wait3A_131 = arith.constant 0 : i32
    %dma_wait3A_132 = arith.constant 0 : i32
    %dma_wait3A_133 = tpu.memref_slice %arg8[%dma_wait3A_119, %dma_wait3A_131, %dma_wait3A_132] : memref<6x128x128xf32, #tpu.memory_space<vmem>> -> memref<1x128x128xf32, #tpu.memory_space<vmem>>
    %dma_wait3A_134 = tpu.memref_squeeze %dma_wait3A_133 : memref<1x128x128xf32, #tpu.memory_space<vmem>> -> memref<128x128xf32, #tpu.memory_space<vmem>>
    tpu.wait_dma2 semaphore(%arg15 : memref<!tpu.dma_semaphore, #tpu.memory_space<semaphore_mem>>) src(%dma_wait3A_134 : memref<128x128xf32, #tpu.memory_space<vmem>>) dst(%dma_wait3A_130 : memref<128x128xf32, #tpu.memory_space<hbm>>)
    %dma_start3A_135 = arith.constant 0 : i32
    %dma_start3A_136 = arith.constant 0 : i32
    %dma_start3A_137 = arith.constant 0 : i32
    %dma_start3A_138 = tpu.memref_slice %arg8[%dma_start3A_135, %dma_start3A_136, %dma_start3A_137] : memref<6x128x128xf32, #tpu.memory_space<vmem>> -> memref<1x128x128xf32, #tpu.memory_space<vmem>>
    %dma_start3A_139 = tpu.memref_squeeze %dma_start3A_138 : memref<1x128x128xf32, #tpu.memory_space<vmem>> -> memref<128x128xf32, #tpu.memory_space<vmem>>
    %dma_start3A_140 = arith.constant 256 : i32
    %dma_start3A_141 = tpu.memref_slice %arg7[%dma_start3A_140] : memref<512xi32, #tpu.memory_space<vmem>> -> memref<128xi32, #tpu.memory_space<vmem>>
    %dma_start3A_142 = arith.constant 0 : i32
    %dma_start3A_143 = arith.constant 0 : i32
    %dma_start3A_144 = tpu.memref_slice %arg3[%dma_start3A_142, %dma_start3A_143] : memref<32768x128xf32, #tpu.memory_space<hbm>> -> memref<32768x128xf32, #tpu.memory_space<hbm>>
    tpu.enqueue_indirect_dma source(%dma_start3A_144 : memref<32768x128xf32, #tpu.memory_space<hbm>>) target(%dma_start3A_139 : memref<128x128xf32, #tpu.memory_space<vmem>>) offsets(%dma_start3A_141 : memref<128xi32, #tpu.memory_space<vmem>>) semaphore(%arg9 : memref<!tpu.dma_semaphore, #tpu.memory_space<semaphore_mem>>)
    %dma_wait3A_145 = arith.constant 1 : i32
    %dma_wait3A_146 = arith.constant 0 : i32
    %dma_wait3A_147 = arith.constant 0 : i32
    %dma_wait3A_148 = tpu.memref_slice %arg8[%dma_wait3A_145, %dma_wait3A_146, %dma_wait3A_147] : memref<6x128x128xf32, #tpu.memory_space<vmem>> -> memref<1x128x128xf32, #tpu.memory_space<vmem>>
    %dma_wait3A_149 = tpu.memref_squeeze %dma_wait3A_148 : memref<1x128x128xf32, #tpu.memory_space<vmem>> -> memref<128x128xf32, #tpu.memory_space<vmem>>
    %dma_wait3A_150 = arith.constant 128 : i32
    %dma_wait3A_151 = tpu.memref_slice %arg7[%dma_wait3A_150] : memref<512xi32, #tpu.memory_space<vmem>> -> memref<128xi32, #tpu.memory_space<vmem>>
    %dma_wait3A_152 = arith.constant 0 : i32
    %dma_wait3A_153 = arith.constant 0 : i32
    %dma_wait3A_154 = tpu.memref_slice %arg2[%dma_wait3A_152, %dma_wait3A_153] : memref<32768x128xf32, #tpu.memory_space<hbm>> -> memref<32768x128xf32, #tpu.memory_space<hbm>>
    tpu.wait_indirect_dma semaphore(%arg10 : memref<!tpu.dma_semaphore, #tpu.memory_space<semaphore_mem>>) src(%dma_wait3A_154 : memref<32768x128xf32, #tpu.memory_space<hbm>>) dst(%dma_wait3A_149 : memref<128x128xf32, #tpu.memory_space<vmem>>)
    %add3A_155 = arith.constant 128 : i32
    %add3A_156 = arith.addi %mul3A_32, %add3A_155 : i32
    %dma_start3A_157 = arith.constant 1 : i32
    %dma_start3A_158 = arith.constant 0 : i32
    %dma_start3A_159 = arith.constant 0 : i32
    %dma_start3A_160 = arith.constant 0 : i32
    %dma_start3A_161 = tpu.memref_slice %arg8[%dma_start3A_157, %dma_start3A_159, %dma_start3A_160] : memref<6x128x128xf32, #tpu.memory_space<vmem>> -> memref<1x128x128xf32, #tpu.memory_space<vmem>>
    %dma_start3A_162 = tpu.memref_squeeze %dma_start3A_161 : memref<1x128x128xf32, #tpu.memory_space<vmem>> -> memref<128x128xf32, #tpu.memory_space<vmem>>
    %dma_start3A_163 = arith.constant 0 : i32
    %dma_start3A_164 = tpu.memref_slice %arg5[%select_n3A, %dma_start3A_158, %add3A_156, %dma_start3A_163] : memref<2x1x8192x128xf32, #tpu.memory_space<hbm>> -> memref<1x1x128x128xf32, #tpu.memory_space<hbm>>
    %dma_start3A_165 = tpu.memref_squeeze %dma_start3A_164 : memref<1x1x128x128xf32, #tpu.memory_space<hbm>> -> memref<128x128xf32, #tpu.memory_space<hbm>>
    %dma_start3A_166 = arith.constant 0 : i32
    %dma_start3A_167 = tpu.memref_slice %arg5[%select_n3A, %dma_start3A_158, %add3A_156, %dma_start3A_166] : memref<2x1x8192x128xf32, #tpu.memory_space<hbm>> -> memref<1x1x128x128xf32, #tpu.memory_space<hbm>>
    %dma_start3A_168 = tpu.memref_squeeze %dma_start3A_167 : memref<1x1x128x128xf32, #tpu.memory_space<hbm>> -> memref<128x128xf32, #tpu.memory_space<hbm>>
    %dma_start3A_169 = arith.constant 0 : i32
    %dma_start3A_170 = arith.constant 0 : i32
    %dma_start3A_171 = tpu.memref_slice %arg8[%dma_start3A_157, %dma_start3A_169, %dma_start3A_170] : memref<6x128x128xf32, #tpu.memory_space<vmem>> -> memref<1x128x128xf32, #tpu.memory_space<vmem>>
    %dma_start3A_172 = tpu.memref_squeeze %dma_start3A_171 : memref<1x128x128xf32, #tpu.memory_space<vmem>> -> memref<128x128xf32, #tpu.memory_space<vmem>>
    tpu.enqueue_dma source(%dma_start3A_172 : memref<128x128xf32, #tpu.memory_space<vmem>>) target(%dma_start3A_168 : memref<128x128xf32, #tpu.memory_space<hbm>>) target_semaphore(%arg16 : memref<!tpu.dma_semaphore, #tpu.memory_space<semaphore_mem>>)
    %dma_wait3A_173 = arith.constant 1 : i32
    %dma_wait3A_174 = arith.constant 0 : i32
    %dma_wait3A_175 = arith.constant 0 : i32
    %dma_wait3A_176 = arith.constant 0 : i32
    %dma_wait3A_177 = tpu.memref_slice %arg8[%dma_wait3A_173, %dma_wait3A_175, %dma_wait3A_176] : memref<6x128x128xf32, #tpu.memory_space<vmem>> -> memref<1x128x128xf32, #tpu.memory_space<vmem>>
    %dma_wait3A_178 = tpu.memref_squeeze %dma_wait3A_177 : memref<1x128x128xf32, #tpu.memory_space<vmem>> -> memref<128x128xf32, #tpu.memory_space<vmem>>
    %dma_wait3A_179 = arith.constant 0 : i32
    %dma_wait3A_180 = tpu.memref_slice %arg5[%select_n3A, %dma_wait3A_174, %add3A_156, %dma_wait3A_179] : memref<2x1x8192x128xf32, #tpu.memory_space<hbm>> -> memref<1x1x128x128xf32, #tpu.memory_space<hbm>>
    %dma_wait3A_181 = tpu.memref_squeeze %dma_wait3A_180 : memref<1x1x128x128xf32, #tpu.memory_space<hbm>> -> memref<128x128xf32, #tpu.memory_space<hbm>>
    %dma_wait3A_182 = arith.constant 0 : i32
    %dma_wait3A_183 = tpu.memref_slice %arg5[%select_n3A, %dma_wait3A_174, %add3A_156, %dma_wait3A_182] : memref<2x1x8192x128xf32, #tpu.memory_space<hbm>> -> memref<1x1x128x128xf32, #tpu.memory_space<hbm>>
    %dma_wait3A_184 = tpu.memref_squeeze %dma_wait3A_183 : memref<1x1x128x128xf32, #tpu.memory_space<hbm>> -> memref<128x128xf32, #tpu.memory_space<hbm>>
    %dma_wait3A_185 = arith.constant 0 : i32
    %dma_wait3A_186 = arith.constant 0 : i32
    %dma_wait3A_187 = tpu.memref_slice %arg8[%dma_wait3A_173, %dma_wait3A_185, %dma_wait3A_186] : memref<6x128x128xf32, #tpu.memory_space<vmem>> -> memref<1x128x128xf32, #tpu.memory_space<vmem>>
    %dma_wait3A_188 = tpu.memref_squeeze %dma_wait3A_187 : memref<1x128x128xf32, #tpu.memory_space<vmem>> -> memref<128x128xf32, #tpu.memory_space<vmem>>
    tpu.wait_dma2 semaphore(%arg16 : memref<!tpu.dma_semaphore, #tpu.memory_space<semaphore_mem>>) src(%dma_wait3A_188 : memref<128x128xf32, #tpu.memory_space<vmem>>) dst(%dma_wait3A_184 : memref<128x128xf32, #tpu.memory_space<hbm>>)
    %dma_start3A_189 = arith.constant 1 : i32
    %dma_start3A_190 = arith.constant 0 : i32
    %dma_start3A_191 = arith.constant 0 : i32
    %dma_start3A_192 = tpu.memref_slice %arg8[%dma_start3A_189, %dma_start3A_190, %dma_start3A_191] : memref<6x128x128xf32, #tpu.memory_space<vmem>> -> memref<1x128x128xf32, #tpu.memory_space<vmem>>
    %dma_start3A_193 = tpu.memref_squeeze %dma_start3A_192 : memref<1x128x128xf32, #tpu.memory_space<vmem>> -> memref<128x128xf32, #tpu.memory_space<vmem>>
    %dma_start3A_194 = arith.constant 384 : i32
    %dma_start3A_195 = tpu.memref_slice %arg7[%dma_start3A_194] : memref<512xi32, #tpu.memory_space<vmem>> -> memref<128xi32, #tpu.memory_space<vmem>>
    %dma_start3A_196 = arith.constant 0 : i32
    %dma_start3A_197 = arith.constant 0 : i32
    %dma_start3A_198 = tpu.memref_slice %arg3[%dma_start3A_196, %dma_start3A_197] : memref<32768x128xf32, #tpu.memory_space<hbm>> -> memref<32768x128xf32, #tpu.memory_space<hbm>>
    tpu.enqueue_indirect_dma source(%dma_start3A_198 : memref<32768x128xf32, #tpu.memory_space<hbm>>) target(%dma_start3A_193 : memref<128x128xf32, #tpu.memory_space<vmem>>) offsets(%dma_start3A_195 : memref<128xi32, #tpu.memory_space<vmem>>) semaphore(%arg10 : memref<!tpu.dma_semaphore, #tpu.memory_space<semaphore_mem>>)
    %dma_wait3A_199 = arith.constant 2 : i32
    %dma_wait3A_200 = arith.constant 0 : i32
    %dma_wait3A_201 = arith.constant 0 : i32
    %dma_wait3A_202 = tpu.memref_slice %arg8[%dma_wait3A_199, %dma_wait3A_200, %dma_wait3A_201] : memref<6x128x128xf32, #tpu.memory_space<vmem>> -> memref<1x128x128xf32, #tpu.memory_space<vmem>>
    %dma_wait3A_203 = tpu.memref_squeeze %dma_wait3A_202 : memref<1x128x128xf32, #tpu.memory_space<vmem>> -> memref<128x128xf32, #tpu.memory_space<vmem>>
    %dma_wait3A_204 = arith.constant 256 : i32
    %dma_wait3A_205 = tpu.memref_slice %arg7[%dma_wait3A_204] : memref<512xi32, #tpu.memory_space<vmem>> -> memref<128xi32, #tpu.memory_space<vmem>>
    %dma_wait3A_206 = arith.constant 0 : i32
    %dma_wait3A_207 = arith.constant 0 : i32
    %dma_wait3A_208 = tpu.memref_slice %arg2[%dma_wait3A_206, %dma_wait3A_207] : memref<32768x128xf32, #tpu.memory_space<hbm>> -> memref<32768x128xf32, #tpu.memory_space<hbm>>
    tpu.wait_indirect_dma semaphore(%arg11 : memref<!tpu.dma_semaphore, #tpu.memory_space<semaphore_mem>>) src(%dma_wait3A_208 : memref<32768x128xf32, #tpu.memory_space<hbm>>) dst(%dma_wait3A_203 : memref<128x128xf32, #tpu.memory_space<vmem>>)
    %add3A_209 = arith.constant 256 : i32
    %add3A_210 = arith.addi %mul3A_32, %add3A_209 : i32
    %dma_start3A_211 = arith.constant 2 : i32
    %dma_start3A_212 = arith.constant 0 : i32
    %dma_start3A_213 = arith.constant 0 : i32
    %dma_start3A_214 = arith.constant 0 : i32
    %dma_start3A_215 = tpu.memref_slice %arg8[%dma_start3A_211, %dma_start3A_213, %dma_start3A_214] : memref<6x128x128xf32, #tpu.memory_space<vmem>> -> memref<1x128x128xf32, #tpu.memory_space<vmem>>
    %dma_start3A_216 = tpu.memref_squeeze %dma_start3A_215 : memref<1x128x128xf32, #tpu.memory_space<vmem>> -> memref<128x128xf32, #tpu.memory_space<vmem>>
    %dma_start3A_217 = arith.constant 0 : i32
    %dma_start3A_218 = tpu.memref_slice %arg5[%select_n3A, %dma_start3A_212, %add3A_210, %dma_start3A_217] : memref<2x1x8192x128xf32, #tpu.memory_space<hbm>> -> memref<1x1x128x128xf32, #tpu.memory_space<hbm>>
    %dma_start3A_219 = tpu.memref_squeeze %dma_start3A_218 : memref<1x1x128x128xf32, #tpu.memory_space<hbm>> -> memref<128x128xf32, #tpu.memory_space<hbm>>
    %dma_start3A_220 = arith.constant 0 : i32
    %dma_start3A_221 = tpu.memref_slice %arg5[%select_n3A, %dma_start3A_212, %add3A_210, %dma_start3A_220] : memref<2x1x8192x128xf32, #tpu.memory_space<hbm>> -> memref<1x1x128x128xf32, #tpu.memory_space<hbm>>
    %dma_start3A_222 = tpu.memref_squeeze %dma_start3A_221 : memref<1x1x128x128xf32, #tpu.memory_space<hbm>> -> memref<128x128xf32, #tpu.memory_space<hbm>>
    %dma_start3A_223 = arith.constant 0 : i32
    %dma_start3A_224 = arith.constant 0 : i32
    %dma_start3A_225 = tpu.memref_slice %arg8[%dma_start3A_211, %dma_start3A_223, %dma_start3A_224] : memref<6x128x128xf32, #tpu.memory_space<vmem>> -> memref<1x128x128xf32, #tpu.memory_space<vmem>>
    %dma_start3A_226 = tpu.memref_squeeze %dma_start3A_225 : memref<1x128x128xf32, #tpu.memory_space<vmem>> -> memref<128x128xf32, #tpu.memory_space<vmem>>
    tpu.enqueue_dma source(%dma_start3A_226 : memref<128x128xf32, #tpu.memory_space<vmem>>) target(%dma_start3A_222 : memref<128x128xf32, #tpu.memory_space<hbm>>) target_semaphore(%arg17 : memref<!tpu.dma_semaphore, #tpu.memory_space<semaphore_mem>>)
    %dma_wait3A_227 = arith.constant 3 : i32
    %dma_wait3A_228 = arith.constant 0 : i32
    %dma_wait3A_229 = arith.constant 0 : i32
    %dma_wait3A_230 = tpu.memref_slice %arg8[%dma_wait3A_227, %dma_wait3A_228, %dma_wait3A_229] : memref<6x128x128xf32, #tpu.memory_space<vmem>> -> memref<1x128x128xf32, #tpu.memory_space<vmem>>
    %dma_wait3A_231 = tpu.memref_squeeze %dma_wait3A_230 : memref<1x128x128xf32, #tpu.memory_space<vmem>> -> memref<128x128xf32, #tpu.memory_space<vmem>>
    %dma_wait3A_232 = arith.constant 384 : i32
    %dma_wait3A_233 = tpu.memref_slice %arg7[%dma_wait3A_232] : memref<512xi32, #tpu.memory_space<vmem>> -> memref<128xi32, #tpu.memory_space<vmem>>
    %dma_wait3A_234 = arith.constant 0 : i32
    %dma_wait3A_235 = arith.constant 0 : i32
    %dma_wait3A_236 = tpu.memref_slice %arg2[%dma_wait3A_234, %dma_wait3A_235] : memref<32768x128xf32, #tpu.memory_space<hbm>> -> memref<32768x128xf32, #tpu.memory_space<hbm>>
    tpu.wait_indirect_dma semaphore(%arg12 : memref<!tpu.dma_semaphore, #tpu.memory_space<semaphore_mem>>) src(%dma_wait3A_236 : memref<32768x128xf32, #tpu.memory_space<hbm>>) dst(%dma_wait3A_231 : memref<128x128xf32, #tpu.memory_space<vmem>>)
    %add3A_237 = arith.constant 384 : i32
    %add3A_238 = arith.addi %mul3A_32, %add3A_237 : i32
    %dma_start3A_239 = arith.constant 3 : i32
    %dma_start3A_240 = arith.constant 0 : i32
    %dma_start3A_241 = arith.constant 0 : i32
    %dma_start3A_242 = arith.constant 0 : i32
    %dma_start3A_243 = tpu.memref_slice %arg8[%dma_start3A_239, %dma_start3A_241, %dma_start3A_242] : memref<6x128x128xf32, #tpu.memory_space<vmem>> -> memref<1x128x128xf32, #tpu.memory_space<vmem>>
    %dma_start3A_244 = tpu.memref_squeeze %dma_start3A_243 : memref<1x128x128xf32, #tpu.memory_space<vmem>> -> memref<128x128xf32, #tpu.memory_space<vmem>>
    %dma_start3A_245 = arith.constant 0 : i32
    %dma_start3A_246 = tpu.memref_slice %arg5[%select_n3A, %dma_start3A_240, %add3A_238, %dma_start3A_245] : memref<2x1x8192x128xf32, #tpu.memory_space<hbm>> -> memref<1x1x128x128xf32, #tpu.memory_space<hbm>>
    %dma_start3A_247 = tpu.memref_squeeze %dma_start3A_246 : memref<1x1x128x128xf32, #tpu.memory_space<hbm>> -> memref<128x128xf32, #tpu.memory_space<hbm>>
    %dma_start3A_248 = arith.constant 0 : i32
    %dma_start3A_249 = tpu.memref_slice %arg5[%select_n3A, %dma_start3A_240, %add3A_238, %dma_start3A_248] : memref<2x1x8192x128xf32, #tpu.memory_space<hbm>> -> memref<1x1x128x128xf32, #tpu.memory_space<hbm>>
    %dma_start3A_250 = tpu.memref_squeeze %dma_start3A_249 : memref<1x1x128x128xf32, #tpu.memory_space<hbm>> -> memref<128x128xf32, #tpu.memory_space<hbm>>
    %dma_start3A_251 = arith.constant 0 : i32
    %dma_start3A_252 = arith.constant 0 : i32
    %dma_start3A_253 = tpu.memref_slice %arg8[%dma_start3A_239, %dma_start3A_251, %dma_start3A_252] : memref<6x128x128xf32, #tpu.memory_space<vmem>> -> memref<1x128x128xf32, #tpu.memory_space<vmem>>
    %dma_start3A_254 = tpu.memref_squeeze %dma_start3A_253 : memref<1x128x128xf32, #tpu.memory_space<vmem>> -> memref<128x128xf32, #tpu.memory_space<vmem>>
    tpu.enqueue_dma source(%dma_start3A_254 : memref<128x128xf32, #tpu.memory_space<vmem>>) target(%dma_start3A_250 : memref<128x128xf32, #tpu.memory_space<hbm>>) target_semaphore(%arg18 : memref<!tpu.dma_semaphore, #tpu.memory_space<semaphore_mem>>)
    %dma_wait3A_255 = arith.constant 4 : i32
    %dma_wait3A_256 = arith.constant 0 : i32
    %dma_wait3A_257 = arith.constant 0 : i32
    %dma_wait3A_258 = tpu.memref_slice %arg8[%dma_wait3A_255, %dma_wait3A_256, %dma_wait3A_257] : memref<6x128x128xf32, #tpu.memory_space<vmem>> -> memref<1x128x128xf32, #tpu.memory_space<vmem>>
    %dma_wait3A_259 = tpu.memref_squeeze %dma_wait3A_258 : memref<1x128x128xf32, #tpu.memory_space<vmem>> -> memref<128x128xf32, #tpu.memory_space<vmem>>
    %dma_wait3A_260 = arith.constant 0 : i32
    %dma_wait3A_261 = tpu.memref_slice %arg7[%dma_wait3A_260] : memref<512xi32, #tpu.memory_space<vmem>> -> memref<128xi32, #tpu.memory_space<vmem>>
    %dma_wait3A_262 = arith.constant 0 : i32
    %dma_wait3A_263 = arith.constant 0 : i32
    %dma_wait3A_264 = tpu.memref_slice %arg3[%dma_wait3A_262, %dma_wait3A_263] : memref<32768x128xf32, #tpu.memory_space<hbm>> -> memref<32768x128xf32, #tpu.memory_space<hbm>>
    tpu.wait_indirect_dma semaphore(%arg13 : memref<!tpu.dma_semaphore, #tpu.memory_space<semaphore_mem>>) src(%dma_wait3A_264 : memref<32768x128xf32, #tpu.memory_space<hbm>>) dst(%dma_wait3A_259 : memref<128x128xf32, #tpu.memory_space<vmem>>)
    %add3A_265 = arith.constant 0 : i32
    %add3A_266 = arith.addi %mul3A_32, %add3A_265 : i32
    %dma_start3A_267 = arith.constant 4 : i32
    %dma_start3A_268 = arith.constant 0 : i32
    %dma_start3A_269 = arith.constant 0 : i32
    %dma_start3A_270 = arith.constant 0 : i32
    %dma_start3A_271 = tpu.memref_slice %arg8[%dma_start3A_267, %dma_start3A_269, %dma_start3A_270] : memref<6x128x128xf32, #tpu.memory_space<vmem>> -> memref<1x128x128xf32, #tpu.memory_space<vmem>>
    %dma_start3A_272 = tpu.memref_squeeze %dma_start3A_271 : memref<1x128x128xf32, #tpu.memory_space<vmem>> -> memref<128x128xf32, #tpu.memory_space<vmem>>
    %dma_start3A_273 = arith.constant 0 : i32
    %dma_start3A_274 = tpu.memref_slice %arg6[%select_n3A, %dma_start3A_268, %add3A_266, %dma_start3A_273] : memref<2x1x8192x128xf32, #tpu.memory_space<hbm>> -> memref<1x1x128x128xf32, #tpu.memory_space<hbm>>
    %dma_start3A_275 = tpu.memref_squeeze %dma_start3A_274 : memref<1x1x128x128xf32, #tpu.memory_space<hbm>> -> memref<128x128xf32, #tpu.memory_space<hbm>>
    %dma_start3A_276 = arith.constant 0 : i32
    %dma_start3A_277 = tpu.memref_slice %arg6[%select_n3A, %dma_start3A_268, %add3A_266, %dma_start3A_276] : memref<2x1x8192x128xf32, #tpu.memory_space<hbm>> -> memref<1x1x128x128xf32, #tpu.memory_space<hbm>>
    %dma_start3A_278 = tpu.memref_squeeze %dma_start3A_277 : memref<1x1x128x128xf32, #tpu.memory_space<hbm>> -> memref<128x128xf32, #tpu.memory_space<hbm>>
    %dma_start3A_279 = arith.constant 0 : i32
    %dma_start3A_280 = arith.constant 0 : i32
    %dma_start3A_281 = tpu.memref_slice %arg8[%dma_start3A_267, %dma_start3A_279, %dma_start3A_280] : memref<6x128x128xf32, #tpu.memory_space<vmem>> -> memref<1x128x128xf32, #tpu.memory_space<vmem>>
    %dma_start3A_282 = tpu.memref_squeeze %dma_start3A_281 : memref<1x128x128xf32, #tpu.memory_space<vmem>> -> memref<128x128xf32, #tpu.memory_space<vmem>>
    tpu.enqueue_dma source(%dma_start3A_282 : memref<128x128xf32, #tpu.memory_space<vmem>>) target(%dma_start3A_278 : memref<128x128xf32, #tpu.memory_space<hbm>>) target_semaphore(%arg19 : memref<!tpu.dma_semaphore, #tpu.memory_space<semaphore_mem>>)
    %dma_wait3A_283 = arith.constant 5 : i32
    %dma_wait3A_284 = arith.constant 0 : i32
    %dma_wait3A_285 = arith.constant 0 : i32
    %dma_wait3A_286 = tpu.memref_slice %arg8[%dma_wait3A_283, %dma_wait3A_284, %dma_wait3A_285] : memref<6x128x128xf32, #tpu.memory_space<vmem>> -> memref<1x128x128xf32, #tpu.memory_space<vmem>>
    %dma_wait3A_287 = tpu.memref_squeeze %dma_wait3A_286 : memref<1x128x128xf32, #tpu.memory_space<vmem>> -> memref<128x128xf32, #tpu.memory_space<vmem>>
    %dma_wait3A_288 = arith.constant 128 : i32
    %dma_wait3A_289 = tpu.memref_slice %arg7[%dma_wait3A_288] : memref<512xi32, #tpu.memory_space<vmem>> -> memref<128xi32, #tpu.memory_space<vmem>>
    %dma_wait3A_290 = arith.constant 0 : i32
    %dma_wait3A_291 = arith.constant 0 : i32
    %dma_wait3A_292 = tpu.memref_slice %arg3[%dma_wait3A_290, %dma_wait3A_291] : memref<32768x128xf32, #tpu.memory_space<hbm>> -> memref<32768x128xf32, #tpu.memory_space<hbm>>
    tpu.wait_indirect_dma semaphore(%arg14 : memref<!tpu.dma_semaphore, #tpu.memory_space<semaphore_mem>>) src(%dma_wait3A_292 : memref<32768x128xf32, #tpu.memory_space<hbm>>) dst(%dma_wait3A_287 : memref<128x128xf32, #tpu.memory_space<vmem>>)
    %add3A_293 = arith.constant 128 : i32
    %add3A_294 = arith.addi %mul3A_32, %add3A_293 : i32
    %dma_start3A_295 = arith.constant 5 : i32
    %dma_start3A_296 = arith.constant 0 : i32
    %dma_start3A_297 = arith.constant 0 : i32
    %dma_start3A_298 = arith.constant 0 : i32
    %dma_start3A_299 = tpu.memref_slice %arg8[%dma_start3A_295, %dma_start3A_297, %dma_start3A_298] : memref<6x128x128xf32, #tpu.memory_space<vmem>> -> memref<1x128x128xf32, #tpu.memory_space<vmem>>
    %dma_start3A_300 = tpu.memref_squeeze %dma_start3A_299 : memref<1x128x128xf32, #tpu.memory_space<vmem>> -> memref<128x128xf32, #tpu.memory_space<vmem>>
    %dma_start3A_301 = arith.constant 0 : i32
    %dma_start3A_302 = tpu.memref_slice %arg6[%select_n3A, %dma_start3A_296, %add3A_294, %dma_start3A_301] : memref<2x1x8192x128xf32, #tpu.memory_space<hbm>> -> memref<1x1x128x128xf32, #tpu.memory_space<hbm>>
    %dma_start3A_303 = tpu.memref_squeeze %dma_start3A_302 : memref<1x1x128x128xf32, #tpu.memory_space<hbm>> -> memref<128x128xf32, #tpu.memory_space<hbm>>
    %dma_start3A_304 = arith.constant 0 : i32
    %dma_start3A_305 = tpu.memref_slice %arg6[%select_n3A, %dma_start3A_296, %add3A_294, %dma_start3A_304] : memref<2x1x8192x128xf32, #tpu.memory_space<hbm>> -> memref<1x1x128x128xf32, #tpu.memory_space<hbm>>
    %dma_start3A_306 = tpu.memref_squeeze %dma_start3A_305 : memref<1x1x128x128xf32, #tpu.memory_space<hbm>> -> memref<128x128xf32, #tpu.memory_space<hbm>>
    %dma_start3A_307 = arith.constant 0 : i32
    %dma_start3A_308 = arith.constant 0 : i32
    %dma_start3A_309 = tpu.memref_slice %arg8[%dma_start3A_295, %dma_start3A_307, %dma_start3A_308] : memref<6x128x128xf32, #tpu.memory_space<vmem>> -> memref<1x128x128xf32, #tpu.memory_space<vmem>>
    %dma_start3A_310 = tpu.memref_squeeze %dma_start3A_309 : memref<1x128x128xf32, #tpu.memory_space<vmem>> -> memref<128x128xf32, #tpu.memory_space<vmem>>
    tpu.enqueue_dma source(%dma_start3A_310 : memref<128x128xf32, #tpu.memory_space<vmem>>) target(%dma_start3A_306 : memref<128x128xf32, #tpu.memory_space<hbm>>) target_semaphore(%arg20 : memref<!tpu.dma_semaphore, #tpu.memory_space<semaphore_mem>>)
    %dma_wait3A_311 = arith.constant 0 : i32
    %dma_wait3A_312 = arith.constant 0 : i32
    %dma_wait3A_313 = arith.constant 0 : i32
    %dma_wait3A_314 = tpu.memref_slice %arg8[%dma_wait3A_311, %dma_wait3A_312, %dma_wait3A_313] : memref<6x128x128xf32, #tpu.memory_space<vmem>> -> memref<1x128x128xf32, #tpu.memory_space<vmem>>
    %dma_wait3A_315 = tpu.memref_squeeze %dma_wait3A_314 : memref<1x128x128xf32, #tpu.memory_space<vmem>> -> memref<128x128xf32, #tpu.memory_space<vmem>>
    %dma_wait3A_316 = arith.constant 256 : i32
    %dma_wait3A_317 = tpu.memref_slice %arg7[%dma_wait3A_316] : memref<512xi32, #tpu.memory_space<vmem>> -> memref<128xi32, #tpu.memory_space<vmem>>
    %dma_wait3A_318 = arith.constant 0 : i32
    %dma_wait3A_319 = arith.constant 0 : i32
    %dma_wait3A_320 = tpu.memref_slice %arg3[%dma_wait3A_318, %dma_wait3A_319] : memref<32768x128xf32, #tpu.memory_space<hbm>> -> memref<32768x128xf32, #tpu.memory_space<hbm>>
    tpu.wait_indirect_dma semaphore(%arg9 : memref<!tpu.dma_semaphore, #tpu.memory_space<semaphore_mem>>) src(%dma_wait3A_320 : memref<32768x128xf32, #tpu.memory_space<hbm>>) dst(%dma_wait3A_315 : memref<128x128xf32, #tpu.memory_space<vmem>>)
    %add3A_321 = arith.constant 256 : i32
    %add3A_322 = arith.addi %mul3A_32, %add3A_321 : i32
    %dma_start3A_323 = arith.constant 0 : i32
    %dma_start3A_324 = arith.constant 0 : i32
    %dma_start3A_325 = arith.constant 0 : i32
    %dma_start3A_326 = arith.constant 0 : i32
    %dma_start3A_327 = tpu.memref_slice %arg8[%dma_start3A_323, %dma_start3A_325, %dma_start3A_326] : memref<6x128x128xf32, #tpu.memory_space<vmem>> -> memref<1x128x128xf32, #tpu.memory_space<vmem>>
    %dma_start3A_328 = tpu.memref_squeeze %dma_start3A_327 : memref<1x128x128xf32, #tpu.memory_space<vmem>> -> memref<128x128xf32, #tpu.memory_space<vmem>>
    %dma_start3A_329 = arith.constant 0 : i32
    %dma_start3A_330 = tpu.memref_slice %arg6[%select_n3A, %dma_start3A_324, %add3A_322, %dma_start3A_329] : memref<2x1x8192x128xf32, #tpu.memory_space<hbm>> -> memref<1x1x128x128xf32, #tpu.memory_space<hbm>>
    %dma_start3A_331 = tpu.memref_squeeze %dma_start3A_330 : memref<1x1x128x128xf32, #tpu.memory_space<hbm>> -> memref<128x128xf32, #tpu.memory_space<hbm>>
    %dma_start3A_332 = arith.constant 0 : i32
    %dma_start3A_333 = tpu.memref_slice %arg6[%select_n3A, %dma_start3A_324, %add3A_322, %dma_start3A_332] : memref<2x1x8192x128xf32, #tpu.memory_space<hbm>> -> memref<1x1x128x128xf32, #tpu.memory_space<hbm>>
    %dma_start3A_334 = tpu.memref_squeeze %dma_start3A_333 : memref<1x1x128x128xf32, #tpu.memory_space<hbm>> -> memref<128x128xf32, #tpu.memory_space<hbm>>
    %dma_start3A_335 = arith.constant 0 : i32
    %dma_start3A_336 = arith.constant 0 : i32
    %dma_start3A_337 = tpu.memref_slice %arg8[%dma_start3A_323, %dma_start3A_335, %dma_start3A_336] : memref<6x128x128xf32, #tpu.memory_space<vmem>> -> memref<1x128x128xf32, #tpu.memory_space<vmem>>
    %dma_start3A_338 = tpu.memref_squeeze %dma_start3A_337 : memref<1x128x128xf32, #tpu.memory_space<vmem>> -> memref<128x128xf32, #tpu.memory_space<vmem>>
    tpu.enqueue_dma source(%dma_start3A_338 : memref<128x128xf32, #tpu.memory_space<vmem>>) target(%dma_start3A_334 : memref<128x128xf32, #tpu.memory_space<hbm>>) target_semaphore(%arg15 : memref<!tpu.dma_semaphore, #tpu.memory_space<semaphore_mem>>)
    %dma_wait3A_339 = arith.constant 1 : i32
    %dma_wait3A_340 = arith.constant 0 : i32
    %dma_wait3A_341 = arith.constant 0 : i32
    %dma_wait3A_342 = tpu.memref_slice %arg8[%dma_wait3A_339, %dma_wait3A_340, %dma_wait3A_341] : memref<6x128x128xf32, #tpu.memory_space<vmem>> -> memref<1x128x128xf32, #tpu.memory_space<vmem>>
    %dma_wait3A_343 = tpu.memref_squeeze %dma_wait3A_342 : memref<1x128x128xf32, #tpu.memory_space<vmem>> -> memref<128x128xf32, #tpu.memory_space<vmem>>
    %dma_wait3A_344 = arith.constant 384 : i32
    %dma_wait3A_345 = tpu.memref_slice %arg7[%dma_wait3A_344] : memref<512xi32, #tpu.memory_space<vmem>> -> memref<128xi32, #tpu.memory_space<vmem>>
    %dma_wait3A_346 = arith.constant 0 : i32
    %dma_wait3A_347 = arith.constant 0 : i32
    %dma_wait3A_348 = tpu.memref_slice %arg3[%dma_wait3A_346, %dma_wait3A_347] : memref<32768x128xf32, #tpu.memory_space<hbm>> -> memref<32768x128xf32, #tpu.memory_space<hbm>>
    tpu.wait_indirect_dma semaphore(%arg10 : memref<!tpu.dma_semaphore, #tpu.memory_space<semaphore_mem>>) src(%dma_wait3A_348 : memref<32768x128xf32, #tpu.memory_space<hbm>>) dst(%dma_wait3A_343 : memref<128x128xf32, #tpu.memory_space<vmem>>)
    %add3A_349 = arith.constant 384 : i32
    %add3A_350 = arith.addi %mul3A_32, %add3A_349 : i32
    %dma_start3A_351 = arith.constant 1 : i32
    %dma_start3A_352 = arith.constant 0 : i32
    %dma_start3A_353 = arith.constant 0 : i32
    %dma_start3A_354 = arith.constant 0 : i32
    %dma_start3A_355 = tpu.memref_slice %arg8[%dma_start3A_351, %dma_start3A_353, %dma_start3A_354] : memref<6x128x128xf32, #tpu.memory_space<vmem>> -> memref<1x128x128xf32, #tpu.memory_space<vmem>>
    %dma_start3A_356 = tpu.memref_squeeze %dma_start3A_355 : memref<1x128x128xf32, #tpu.memory_space<vmem>> -> memref<128x128xf32, #tpu.memory_space<vmem>>
    %dma_start3A_357 = arith.constant 0 : i32
    %dma_start3A_358 = tpu.memref_slice %arg6[%select_n3A, %dma_start3A_352, %add3A_350, %dma_start3A_357] : memref<2x1x8192x128xf32, #tpu.memory_space<hbm>> -> memref<1x1x128x128xf32, #tpu.memory_space<hbm>>
    %dma_start3A_359 = tpu.memref_squeeze %dma_start3A_358 : memref<1x1x128x128xf32, #tpu.memory_space<hbm>> -> memref<128x128xf32, #tpu.memory_space<hbm>>
    %dma_start3A_360 = arith.constant 0 : i32
    %dma_start3A_361 = tpu.memref_slice %arg6[%select_n3A, %dma_start3A_352, %add3A_350, %dma_start3A_360] : memref<2x1x8192x128xf32, #tpu.memory_space<hbm>> -> memref<1x1x128x128xf32, #tpu.memory_space<hbm>>
    %dma_start3A_362 = tpu.memref_squeeze %dma_start3A_361 : memref<1x1x128x128xf32, #tpu.memory_space<hbm>> -> memref<128x128xf32, #tpu.memory_space<hbm>>
    %dma_start3A_363 = arith.constant 0 : i32
    %dma_start3A_364 = arith.constant 0 : i32
    %dma_start3A_365 = tpu.memref_slice %arg8[%dma_start3A_351, %dma_start3A_363, %dma_start3A_364] : memref<6x128x128xf32, #tpu.memory_space<vmem>> -> memref<1x128x128xf32, #tpu.memory_space<vmem>>
    %dma_start3A_366 = tpu.memref_squeeze %dma_start3A_365 : memref<1x128x128xf32, #tpu.memory_space<vmem>> -> memref<128x128xf32, #tpu.memory_space<vmem>>
    tpu.enqueue_dma source(%dma_start3A_366 : memref<128x128xf32, #tpu.memory_space<vmem>>) target(%dma_start3A_362 : memref<128x128xf32, #tpu.memory_space<hbm>>) target_semaphore(%arg16 : memref<!tpu.dma_semaphore, #tpu.memory_space<semaphore_mem>>)
    %dma_wait3A_367 = arith.constant 2 : i32
    %dma_wait3A_368 = arith.constant 0 : i32
    %dma_wait3A_369 = arith.constant 0 : i32
    %dma_wait3A_370 = arith.constant 0 : i32
    %dma_wait3A_371 = tpu.memref_slice %arg8[%dma_wait3A_367, %dma_wait3A_369, %dma_wait3A_370] : memref<6x128x128xf32, #tpu.memory_space<vmem>> -> memref<1x128x128xf32, #tpu.memory_space<vmem>>
    %dma_wait3A_372 = tpu.memref_squeeze %dma_wait3A_371 : memref<1x128x128xf32, #tpu.memory_space<vmem>> -> memref<128x128xf32, #tpu.memory_space<vmem>>
    %dma_wait3A_373 = arith.constant 0 : i32
    %dma_wait3A_374 = tpu.memref_slice %arg5[%select_n3A, %dma_wait3A_368, %add3A_210, %dma_wait3A_373] : memref<2x1x8192x128xf32, #tpu.memory_space<hbm>> -> memref<1x1x128x128xf32, #tpu.memory_space<hbm>>
    %dma_wait3A_375 = tpu.memref_squeeze %dma_wait3A_374 : memref<1x1x128x128xf32, #tpu.memory_space<hbm>> -> memref<128x128xf32, #tpu.memory_space<hbm>>
    %dma_wait3A_376 = arith.constant 0 : i32
    %dma_wait3A_377 = tpu.memref_slice %arg5[%select_n3A, %dma_wait3A_368, %add3A_210, %dma_wait3A_376] : memref<2x1x8192x128xf32, #tpu.memory_space<hbm>> -> memref<1x1x128x128xf32, #tpu.memory_space<hbm>>
    %dma_wait3A_378 = tpu.memref_squeeze %dma_wait3A_377 : memref<1x1x128x128xf32, #tpu.memory_space<hbm>> -> memref<128x128xf32, #tpu.memory_space<hbm>>
    %dma_wait3A_379 = arith.constant 0 : i32
    %dma_wait3A_380 = arith.constant 0 : i32
    %dma_wait3A_381 = tpu.memref_slice %arg8[%dma_wait3A_367, %dma_wait3A_379, %dma_wait3A_380] : memref<6x128x128xf32, #tpu.memory_space<vmem>> -> memref<1x128x128xf32, #tpu.memory_space<vmem>>
    %dma_wait3A_382 = tpu.memref_squeeze %dma_wait3A_381 : memref<1x128x128xf32, #tpu.memory_space<vmem>> -> memref<128x128xf32, #tpu.memory_space<vmem>>
    tpu.wait_dma2 semaphore(%arg17 : memref<!tpu.dma_semaphore, #tpu.memory_space<semaphore_mem>>) src(%dma_wait3A_382 : memref<128x128xf32, #tpu.memory_space<vmem>>) dst(%dma_wait3A_378 : memref<128x128xf32, #tpu.memory_space<hbm>>)
    %dma_wait3A_383 = arith.constant 3 : i32
    %dma_wait3A_384 = arith.constant 0 : i32
    %dma_wait3A_385 = arith.constant 0 : i32
    %dma_wait3A_386 = arith.constant 0 : i32
    %dma_wait3A_387 = tpu.memref_slice %arg8[%dma_wait3A_383, %dma_wait3A_385, %dma_wait3A_386] : memref<6x128x128xf32, #tpu.memory_space<vmem>> -> memref<1x128x128xf32, #tpu.memory_space<vmem>>
    %dma_wait3A_388 = tpu.memref_squeeze %dma_wait3A_387 : memref<1x128x128xf32, #tpu.memory_space<vmem>> -> memref<128x128xf32, #tpu.memory_space<vmem>>
    %dma_wait3A_389 = arith.constant 0 : i32
    %dma_wait3A_390 = tpu.memref_slice %arg5[%select_n3A, %dma_wait3A_384, %add3A_238, %dma_wait3A_389] : memref<2x1x8192x128xf32, #tpu.memory_space<hbm>> -> memref<1x1x128x128xf32, #tpu.memory_space<hbm>>
    %dma_wait3A_391 = tpu.memref_squeeze %dma_wait3A_390 : memref<1x1x128x128xf32, #tpu.memory_space<hbm>> -> memref<128x128xf32, #tpu.memory_space<hbm>>
    %dma_wait3A_392 = arith.constant 0 : i32
    %dma_wait3A_393 = tpu.memref_slice %arg5[%select_n3A, %dma_wait3A_384, %add3A_238, %dma_wait3A_392] : memref<2x1x8192x128xf32, #tpu.memory_space<hbm>> -> memref<1x1x128x128xf32, #tpu.memory_space<hbm>>
    %dma_wait3A_394 = tpu.memref_squeeze %dma_wait3A_393 : memref<1x1x128x128xf32, #tpu.memory_space<hbm>> -> memref<128x128xf32, #tpu.memory_space<hbm>>
    %dma_wait3A_395 = arith.constant 0 : i32
    %dma_wait3A_396 = arith.constant 0 : i32
    %dma_wait3A_397 = tpu.memref_slice %arg8[%dma_wait3A_383, %dma_wait3A_395, %dma_wait3A_396] : memref<6x128x128xf32, #tpu.memory_space<vmem>> -> memref<1x128x128xf32, #tpu.memory_space<vmem>>
    %dma_wait3A_398 = tpu.memref_squeeze %dma_wait3A_397 : memref<1x128x128xf32, #tpu.memory_space<vmem>> -> memref<128x128xf32, #tpu.memory_space<vmem>>
    tpu.wait_dma2 semaphore(%arg18 : memref<!tpu.dma_semaphore, #tpu.memory_space<semaphore_mem>>) src(%dma_wait3A_398 : memref<128x128xf32, #tpu.memory_space<vmem>>) dst(%dma_wait3A_394 : memref<128x128xf32, #tpu.memory_space<hbm>>)
    %dma_wait3A_399 = arith.constant 4 : i32
    %dma_wait3A_400 = arith.constant 0 : i32
    %dma_wait3A_401 = arith.constant 0 : i32
    %dma_wait3A_402 = arith.constant 0 : i32
    %dma_wait3A_403 = tpu.memref_slice %arg8[%dma_wait3A_399, %dma_wait3A_401, %dma_wait3A_402] : memref<6x128x128xf32, #tpu.memory_space<vmem>> -> memref<1x128x128xf32, #tpu.memory_space<vmem>>
    %dma_wait3A_404 = tpu.memref_squeeze %dma_wait3A_403 : memref<1x128x128xf32, #tpu.memory_space<vmem>> -> memref<128x128xf32, #tpu.memory_space<vmem>>
    %dma_wait3A_405 = arith.constant 0 : i32
    %dma_wait3A_406 = tpu.memref_slice %arg6[%select_n3A, %dma_wait3A_400, %add3A_266, %dma_wait3A_405] : memref<2x1x8192x128xf32, #tpu.memory_space<hbm>> -> memref<1x1x128x128xf32, #tpu.memory_space<hbm>>
    %dma_wait3A_407 = tpu.memref_squeeze %dma_wait3A_406 : memref<1x1x128x128xf32, #tpu.memory_space<hbm>> -> memref<128x128xf32, #tpu.memory_space<hbm>>
    %dma_wait3A_408 = arith.constant 0 : i32
    %dma_wait3A_409 = tpu.memref_slice %arg6[%select_n3A, %dma_wait3A_400, %add3A_266, %dma_wait3A_408] : memref<2x1x8192x128xf32, #tpu.memory_space<hbm>> -> memref<1x1x128x128xf32, #tpu.memory_space<hbm>>
    %dma_wait3A_410 = tpu.memref_squeeze %dma_wait3A_409 : memref<1x1x128x128xf32, #tpu.memory_space<hbm>> -> memref<128x128xf32, #tpu.memory_space<hbm>>
    %dma_wait3A_411 = arith.constant 0 : i32
    %dma_wait3A_412 = arith.constant 0 : i32
    %dma_wait3A_413 = tpu.memref_slice %arg8[%dma_wait3A_399, %dma_wait3A_411, %dma_wait3A_412] : memref<6x128x128xf32, #tpu.memory_space<vmem>> -> memref<1x128x128xf32, #tpu.memory_space<vmem>>
    %dma_wait3A_414 = tpu.memref_squeeze %dma_wait3A_413 : memref<1x128x128xf32, #tpu.memory_space<vmem>> -> memref<128x128xf32, #tpu.memory_space<vmem>>
    tpu.wait_dma2 semaphore(%arg19 : memref<!tpu.dma_semaphore, #tpu.memory_space<semaphore_mem>>) src(%dma_wait3A_414 : memref<128x128xf32, #tpu.memory_space<vmem>>) dst(%dma_wait3A_410 : memref<128x128xf32, #tpu.memory_space<hbm>>)
    %dma_wait3A_415 = arith.constant 5 : i32
    %dma_wait3A_416 = arith.constant 0 : i32
    %dma_wait3A_417 = arith.constant 0 : i32
    %dma_wait3A_418 = arith.constant 0 : i32
    %dma_wait3A_419 = tpu.memref_slice %arg8[%dma_wait3A_415, %dma_wait3A_417, %dma_wait3A_418] : memref<6x128x128xf32, #tpu.memory_space<vmem>> -> memref<1x128x128xf32, #tpu.memory_space<vmem>>
    %dma_wait3A_420 = tpu.memref_squeeze %dma_wait3A_419 : memref<1x128x128xf32, #tpu.memory_space<vmem>> -> memref<128x128xf32, #tpu.memory_space<vmem>>
    %dma_wait3A_421 = arith.constant 0 : i32
    %dma_wait3A_422 = tpu.memref_slice %arg6[%select_n3A, %dma_wait3A_416, %add3A_294, %dma_wait3A_421] : memref<2x1x8192x128xf32, #tpu.memory_space<hbm>> -> memref<1x1x128x128xf32, #tpu.memory_space<hbm>>
    %dma_wait3A_423 = tpu.memref_squeeze %dma_wait3A_422 : memref<1x1x128x128xf32, #tpu.memory_space<hbm>> -> memref<128x128xf32, #tpu.memory_space<hbm>>
    %dma_wait3A_424 = arith.constant 0 : i32
    %dma_wait3A_425 = tpu.memref_slice %arg6[%select_n3A, %dma_wait3A_416, %add3A_294, %dma_wait3A_424] : memref<2x1x8192x128xf32, #tpu.memory_space<hbm>> -> memref<1x1x128x128xf32, #tpu.memory_space<hbm>>
    %dma_wait3A_426 = tpu.memref_squeeze %dma_wait3A_425 : memref<1x1x128x128xf32, #tpu.memory_space<hbm>> -> memref<128x128xf32, #tpu.memory_space<hbm>>
    %dma_wait3A_427 = arith.constant 0 : i32
    %dma_wait3A_428 = arith.constant 0 : i32
    %dma_wait3A_429 = tpu.memref_slice %arg8[%dma_wait3A_415, %dma_wait3A_427, %dma_wait3A_428] : memref<6x128x128xf32, #tpu.memory_space<vmem>> -> memref<1x128x128xf32, #tpu.memory_space<vmem>>
    %dma_wait3A_430 = tpu.memref_squeeze %dma_wait3A_429 : memref<1x128x128xf32, #tpu.memory_space<vmem>> -> memref<128x128xf32, #tpu.memory_space<vmem>>
    tpu.wait_dma2 semaphore(%arg20 : memref<!tpu.dma_semaphore, #tpu.memory_space<semaphore_mem>>) src(%dma_wait3A_430 : memref<128x128xf32, #tpu.memory_space<vmem>>) dst(%dma_wait3A_426 : memref<128x128xf32, #tpu.memory_space<hbm>>)
    %dma_wait3A_431 = arith.constant 0 : i32
    %dma_wait3A_432 = arith.constant 0 : i32
    %dma_wait3A_433 = arith.constant 0 : i32
    %dma_wait3A_434 = arith.constant 0 : i32
    %dma_wait3A_435 = tpu.memref_slice %arg8[%dma_wait3A_431, %dma_wait3A_433, %dma_wait3A_434] : memref<6x128x128xf32, #tpu.memory_space<vmem>> -> memref<1x128x128xf32, #tpu.memory_space<vmem>>
    %dma_wait3A_436 = tpu.memref_squeeze %dma_wait3A_435 : memref<1x128x128xf32, #tpu.memory_space<vmem>> -> memref<128x128xf32, #tpu.memory_space<vmem>>
    %dma_wait3A_437 = arith.constant 0 : i32
    %dma_wait3A_438 = tpu.memref_slice %arg6[%select_n3A, %dma_wait3A_432, %add3A_322, %dma_wait3A_437] : memref<2x1x8192x128xf32, #tpu.memory_space<hbm>> -> memref<1x1x128x128xf32, #tpu.memory_space<hbm>>
    %dma_wait3A_439 = tpu.memref_squeeze %dma_wait3A_438 : memref<1x1x128x128xf32, #tpu.memory_space<hbm>> -> memref<128x128xf32, #tpu.memory_space<hbm>>
    %dma_wait3A_440 = arith.constant 0 : i32
    %dma_wait3A_441 = tpu.memref_slice %arg6[%select_n3A, %dma_wait3A_432, %add3A_322, %dma_wait3A_440] : memref<2x1x8192x128xf32, #tpu.memory_space<hbm>> -> memref<1x1x128x128xf32, #tpu.memory_space<hbm>>
    %dma_wait3A_442 = tpu.memref_squeeze %dma_wait3A_441 : memref<1x1x128x128xf32, #tpu.memory_space<hbm>> -> memref<128x128xf32, #tpu.memory_space<hbm>>
    %dma_wait3A_443 = arith.constant 0 : i32
    %dma_wait3A_444 = arith.constant 0 : i32
    %dma_wait3A_445 = tpu.memref_slice %arg8[%dma_wait3A_431, %dma_wait3A_443, %dma_wait3A_444] : memref<6x128x128xf32, #tpu.memory_space<vmem>> -> memref<1x128x128xf32, #tpu.memory_space<vmem>>
    %dma_wait3A_446 = tpu.memref_squeeze %dma_wait3A_445 : memref<1x128x128xf32, #tpu.memory_space<vmem>> -> memref<128x128xf32, #tpu.memory_space<vmem>>
    tpu.wait_dma2 semaphore(%arg15 : memref<!tpu.dma_semaphore, #tpu.memory_space<semaphore_mem>>) src(%dma_wait3A_446 : memref<128x128xf32, #tpu.memory_space<vmem>>) dst(%dma_wait3A_442 : memref<128x128xf32, #tpu.memory_space<hbm>>)
    %dma_wait3A_447 = arith.constant 1 : i32
    %dma_wait3A_448 = arith.constant 0 : i32
    %dma_wait3A_449 = arith.constant 0 : i32
    %dma_wait3A_450 = arith.constant 0 : i32
    %dma_wait3A_451 = tpu.memref_slice %arg8[%dma_wait3A_447, %dma_wait3A_449, %dma_wait3A_450] : memref<6x128x128xf32, #tpu.memory_space<vmem>> -> memref<1x128x128xf32, #tpu.memory_space<vmem>>
    %dma_wait3A_452 = tpu.memref_squeeze %dma_wait3A_451 : memref<1x128x128xf32, #tpu.memory_space<vmem>> -> memref<128x128xf32, #tpu.memory_space<vmem>>
    %dma_wait3A_453 = arith.constant 0 : i32
    %dma_wait3A_454 = tpu.memref_slice %arg6[%select_n3A, %dma_wait3A_448, %add3A_350, %dma_wait3A_453] : memref<2x1x8192x128xf32, #tpu.memory_space<hbm>> -> memref<1x1x128x128xf32, #tpu.memory_space<hbm>>
    %dma_wait3A_455 = tpu.memref_squeeze %dma_wait3A_454 : memref<1x1x128x128xf32, #tpu.memory_space<hbm>> -> memref<128x128xf32, #tpu.memory_space<hbm>>
    %dma_wait3A_456 = arith.constant 0 : i32
    %dma_wait3A_457 = tpu.memref_slice %arg6[%select_n3A, %dma_wait3A_448, %add3A_350, %dma_wait3A_456] : memref<2x1x8192x128xf32, #tpu.memory_space<hbm>> -> memref<1x1x128x128xf32, #tpu.memory_space<hbm>>
    %dma_wait3A_458 = tpu.memref_squeeze %dma_wait3A_457 : memref<1x1x128x128xf32, #tpu.memory_space<hbm>> -> memref<128x128xf32, #tpu.memory_space<hbm>>
    %dma_wait3A_459 = arith.constant 0 : i32
    %dma_wait3A_460 = arith.constant 0 : i32
    %dma_wait3A_461 = tpu.memref_slice %arg8[%dma_wait3A_447, %dma_wait3A_459, %dma_wait3A_460] : memref<6x128x128xf32, #tpu.memory_space<vmem>> -> memref<1x128x128xf32, #tpu.memory_space<vmem>>
    %dma_wait3A_462 = tpu.memref_squeeze %dma_wait3A_461 : memref<1x128x128xf32, #tpu.memory_space<vmem>> -> memref<128x128xf32, #tpu.memory_space<vmem>>
    tpu.wait_dma2 semaphore(%arg16 : memref<!tpu.dma_semaphore, #tpu.memory_space<semaphore_mem>>) src(%dma_wait3A_462 : memref<128x128xf32, #tpu.memory_space<vmem>>) dst(%dma_wait3A_458 : memref<128x128xf32, #tpu.memory_space<hbm>>)
    return
  }
}

</mosaic_0001>

<sc_bundles>
// kernel: kernel.3.cloned.1.call-start
scs
__scs_entry_jumppad:
0x0: {  	(pc) =	sbr.rel $0x88, $3  }
0x1: {  	(tag) =	ssettag $0x0;
	lr =	simm.s32 $0x1  }
0x2: {  	[smem:$0x3F9E] =	sst lr;
	_ =	strace $0xD0000000  }
0x3: {  	_ = 	snop  }
0x4: {  	_ = 	snop  }
0x5: {  	_ = 	snop  }
0x6: {  	_ = 	snop  }
0x7: {  	_ = 	snop  }
__scs_overlays_trampoline_lowered:
0x8: {  	[smem:$0x3FAD] =	sst s0  }
0x9: {  	[smem:$0x3FAE] =	sst s1  }
0xa: {  	[smem:$0x3FAF] =	sst s2  }
0xb: {  	[smem:$0x3FB0] =	sst s3  }
0xc: {  	[smem:$0x3FB1] =	sst s4  }
0xd: {  	[smem:$0x3FB2] =	sst s5  }
0xe: {  	[smem:$0x3FB3] =	sst s6  }
0xf: {  	[smem:$0x3FB4] =	sst s7  }
0x10: {  	[smem:$0x3FB5] =	sst s8  }
0x11: {  	[smem:$0x3FB6] =	sst s9;
	s0 =	simm.s32 @!p0 $0x0  }
0x12: {  	s1 =	sld [smem:$0x3F9C];
	s0 =	simm.s32 @p0 $0x1  }
0x13: {  	[smem:$0x3FB7] =	sst s0;
	s0 =	simm.s32 @!p1 $0x0  }
0x14: {  	s2 =	sld [smem:$0x3F9B];
	s0 =	simm.s32 @p1 $0x1  }
0x15: {  	[smem:$0x3FB8] =	sst s0;
	s0 =	simm.s32 @!p2 $0x0  }
0x16: {  	s3 =	sld [smem:$0x3FDB];
	s0 =	simm.s32 @p2 $0x1  }
0x17: {  	s4 =	simm.s32 $0x1BF5;
	[smem:$0x3FBA] =	sst s0  }
0x18: {  	s0 =	sld [smem:$0x3F9D];
	_ =	swait.ge [sflag:s4], $0x0  }
0x19: {  	s7 =	sld [smem:$0x3F9E]  }
0x1a: {  	s8 =	sadd.s32 $0xFFFFE003, lr  }
0x1b: {  	s9 =	sadd.s32 $0xFFFFFEF7, lr;
	s5 =	simm.s32 $0xFFFFFFFF;
	p2 =	slt.u32 s8, $0xFFFFF086  }
0x1c: {  	p1 =	slt.u32 s9, $0xF7A;
	s5 =	simm.s32 @!p2 $0x0  }
0x1d: {  	s5 =	simm.s32 @p1 $0x1;
	p0 =	seq.s32 s7, s2  }
0x1e: {  	s7 =	smul.u32 @!p0 $0xF7A, s2;
	p2 =	seq.s32 @!p0 s5, $0x0  }
0x1f: {  	s9 =	smul.u32 $0xF7A, s1;
	s8 =	simm.s32 @!p0 $0x1BF5;
	p2 =	por !p2, p0  }
0x20: {  	[sflag:s8] =	ssyncset.s32 @!p0 $0xFFFFF086;
	s6 =	sadd.s32 @!p0 s3, s7;
	s7 =	simm.s32 @!p0 $0x108  }
0x21: {  	s3 =	sadd.s32 s3, s9;
	s6 =	sadd.s32 @!p0 $0x88, s6;
	s7 =	simm.s32 @p2 $0x1082  }
0x22: {  	[simem:s7], [sflag:s8] =	dma.local @!p0 [hbm:s6], $0xF7A  }
0x23: {  	s9 =	sor.u32 $0xD0000000, s2;
	s6 =	simm.s32 $0x108;
	_ =	swait.ge @!p0 [sflag:s8], $0x0  }
0x24: {  	s3 =	sadd.s32 $0x88, s3;
	s6 =	simm.s32 @!p1 $0x1082;
	[sflag:s4] =	ssyncset.s32 $0xFFFFF086  }
0x25: {  	[simem:s6], [sflag:s4] =	dma.local [hbm:s3], $0xF7A  }
0x26: {  	[smem:$0x3F9E] =	sst s1;
	(tag) =	ssettag s2;
	_ =	strace s9  }
0x27: {  	s1 =	sld [smem:$0x3FAE]  }
0x28: {  	s2 =	sld [smem:$0x3FAF]  }
0x29: {  	s4 =	sld [smem:$0x3FB1]  }
0x2a: {  	p0 =	seq.s32 s5, $0x0;
	s5 =	sld [smem:$0x3FB2]  }
0x2b: {  	s6 =	sld [smem:$0x3FB3]  }
0x2c: {  	s7 =	sld [smem:$0x3FB4]  }
0x2d: {  	s3 =	simm.s32 $0x108;
	s8 =	sld [smem:$0x3FB5]  }
0x2e: {  	s3 =	simm.s32 @!p0 $0x1082;
	s9 =	sld [smem:$0x3FB6]  }
0x2f: {  	lr =	sadd.s32 s0, s3;
	s0 =	sld [smem:$0x3FAD]  }
0x30: {  	s3 =	sld [smem:$0x3FB0]  }
0x31: {  	[smem:$0x3FB9] =	sst s10  }
0x32: {  	s10 =	sld [smem:$0x3FB7];
	_ =	sdelay $0x3  }
0x33: {  	p0 =	seq.s32 s10, $0x1;
	s10 =	sld [smem:$0x3FB9];
	_ =	sdelay $0x3  }
0x34: {  	[smem:$0x3FB9] =	sst s10  }
0x35: {  	s10 =	sld [smem:$0x3FB8];
	_ =	sdelay $0x3  }
0x36: {  	p1 =	seq.s32 s10, $0x1;
	s10 =	sld [smem:$0x3FB9];
	_ =	sdelay $0x3  }
0x37: {  	[smem:$0x3FB9] =	sst s10  }
0x38: {  	s10 =	sld [smem:$0x3FBA]  }
0x39: {  	_ = 	snop;
	(pc) =	sbr.ind lr, $3  }
0x3a: {  	_ = 	snop  }
0x3b: {  	_ = 	snop  }
0x3c: {  	p2 =	seq.s32 s10, $0x1;
	s10 =	sld [smem:$0x3FB9]  }
0x3d: {  	_ =	shalt  }
0x3e: {  	_ =	shalt  }
0x3f: {  	_ =	shalt  }
0x40: {  	_ =	shalt  }
0x41: {  	_ =	shalt  }
0x42: {  	_ =	shalt  }
0x43: {  	_ =	shalt  }
0x44: {  	_ =	shalt  }
0x45: {  	_ =	shalt  }
0x46: {  	_ =	shalt  }
0x47: {  	_ =	shalt  }
0x48: {  	_ =	shalt  }
0x49: {  	_ =	shalt  }
0x4a: {  	_ =	shalt  }
0x4b: {  	_ =	shalt  }
0x4c: {  	_ =	shalt  }
0x4d: {  	_ =	shalt  }
0x4e: {  	_ =	shalt  }
0x4f: {  	_ =	shalt  }
0x50: {  	_ =	shalt  }
0x51: {  	_ =	shalt  }
0x52: {  	_ =	shalt  }
0x53: {  	_ =	shalt  }
0x54: {  	_ =	shalt  }
0x55: {  	_ =	shalt  }
0x56: {  	_ =	shalt  }
0x57: {  	_ =	shalt  }
0x58: {  	_ =	shalt  }
0x59: {  	_ =	shalt  }
0x5a: {  	_ =	shalt  }
0x5b: {  	_ =	shalt  }
0x5c: {  	_ =	shalt  }
0x5d: {  	_ =	shalt  }
0x5e: {  	_ =	shalt  }
0x5f: {  	_ =	shalt  }
0x60: {  	_ =	shalt  }
0x61: {  	_ =	shalt  }
0x62: {  	_ =	shalt  }
0x63: {  	_ =	shalt  }
0x64: {  	_ =	shalt  }
0x65: {  	_ =	shalt  }
0x66: {  	_ =	shalt  }
0x67: {  	_ =	shalt  }
0x68: {  	_ =	shalt  }
0x69: {  	_ =	shalt  }
0x6a: {  	_ =	shalt  }
0x6b: {  	_ =	shalt  }
0x6c: {  	_ =	shalt  }
0x6d: {  	_ =	shalt  }
0x6e: {  	_ =	shalt  }
0x6f: {  	_ =	shalt  }
0x70: {  	_ =	shalt  }
0x71: {  	_ =	shalt  }
0x72: {  	_ =	shalt  }
0x73: {  	_ =	shalt  }
0x74: {  	_ =	shalt  }
0x75: {  	_ =	shalt  }
0x76: {  	_ =	shalt  }
0x77: {  	_ =	shalt  }
0x78: {  	_ =	shalt  }
0x79: {  	_ =	shalt  }
0x7a: {  	_ =	shalt  }
0x7b: {  	_ =	shalt  }
0x7c: {  	_ =	shalt  }
0x7d: {  	_ =	shalt  }
0x7e: {  	_ =	shalt  }
0x7f: {  	_ =	shalt  }
0x80: {  	_ =	shalt  }
0x81: {  	_ =	shalt  }
0x82: {  	_ =	shalt  }
0x83: {  	_ =	shalt  }
0x84: {  	_ =	shalt  }
0x85: {  	_ =	shalt  }
0x86: {  	_ =	shalt  }
0x87: {  	_ =	shalt  }
.Lfunc_end0:
.L_simem_size_0:
called_computation_lowered:
.L_overlay_start_0:
0x88: {  	s2 =	sld [smem:$0x3FD9]  }
0x89: {  	s3 =	sld [smem:$0x3FFE];
	_ =	sdelay $0x1  }
0x8a: {  	s1 =	srdreg.scid  }
0x8b: {  	s0 =	sand.u32 $0x1, s1  }
0x8c: {  	s15 =	sshll.u32 s0, $0xA;
	s2 =	sadd.s32 s3, s2  }
0x8d: {  	s2 =	sadd.s32 s2, s15  }
0x8e: {  	[smem:$0x3FC5] =	sst s2  }
0x8f: {  	_ = 	snop  }
0x90: {  	s2 =	sld [smem:$0x3FD0]  }
0x91: {  	s16 =	sld [smem:$0x3FC9]  }
0x92: {  	s4 =	sld [smem:$0x3FC8]  }
0x93: {  	s6 =	simm.s32 $0xA;
	s7 =	simm.s32 $0x10;
	s5 =	sld [smem:$0x3FC7]  }
0x94: {  	[smem:s7], [sflag:s6] =	dma.local [hbm:s2], $0x1  }
0x95: {  	_ =	swait.eq [sflag:s6], $0x1  }
0x96: {  	[sflag:s6] =	ssyncset.done $0x0  }
0x97: {  	s17 =	sld [smem:$0x10];
	[sflag:s6] =	ssyncadd.s32 $0xFFFFFFFF  }
0x98: {  	s18 =	sld [smem:$0x11];
	(tm) =	ssettm $0x1  }
0x99: {  	s19 =	sld [smem:$0x3FFB];
	_ =	sdelay $0x3  }
0x9a: {  	_ =	strace s19  }
0x9b: {  	s7 =	sld [smem:$0x3FFC];
	_ =	sdelay $0x3  }
0x9c: {  	_ =	strace s7  }
0x9d: {  	s7 =	sld [smem:$0x3FFD];
	_ =	sdelay $0x3  }
0x9e: {  	_ =	strace s7  }
0x9f: {  	_ =	strace $0x8FFFFFFF  }
0xa0: {  	s20 =	sld [smem:$0x3FDB];
	_ =	sdelay $0x1  }
0xa1: {  	s8 =	simm.s32 $_scs_section_size  }
0xa2: {  	s9 =	simm.s32 $_size__tile_overlayer_lowered;
	s10 =	simm.s32 $_tile_overlayer_lowered  }
0xa3: {  	s23 =	simm.s32 $0x1BFF;
	s22 =	sshll.u32 s10, $0x1;
	s7 =	sadd.s32 s8, s20  }
0xa4: {  	s11 =	simm.s32 $0x0;
	s21 =	sshll.u32 s9, $0x1;
	s9 =	sadd.s32 s22, s7  }
0xa5: {  	[timem:s11], [sflag:s23] =	dma.local [hbm:s9], s21  }
0xa6: {  	_ =	swait.ge [sflag:s23], s21  }
0xa7: {  	s8 =	ssub.s32 $0x0, s21;
	[sflag:s23] =	ssyncset.done $0x0  }
0xa8: {  	[sflag:s23] =	ssyncadd.s32 s8;
	_ =	sdelay $0x1  }
0xa9: {  	s24 =	simm.s32 $0x1B8B  }
0xaa: {  	_ =	swait.ge [sflag:s24], $0x1  }
0xab: {  	[sflag:s24] =	ssyncset.done $0x0  }
0xac: {  	s25 =	simm.s32 $0x1B8E;
	[sflag:s24] =	ssyncadd.s32 $0xFFFFFFFF  }
0xad: {  	s26 =	simm.s32 $execute0_lowered;
	[smem:$0x3FD2] =	sst s25  }
0xae: {  	s8 =	sshll.u32 s26, $0x1;
	_ =	strace $0x80000046;
	[dreg:$0x1] =	wrdreg $0xFFFFFFFF  }
0xaf: {  	s28 =	simm.s32 $_size_execute0_lowered;
	s7 =	sadd.s32 s7, s8;
	[dreg:$0x0] =	wrdreg $0x0  }
0xb0: {  	s8 =	sshll.u32 s28, $0x1;
	[dreg:$0x2] =	wrdreg s7  }
0xb1: {  	[dreg:$0x3] =	wrdreg s8  }
0xb2: {  	[dreg:$0x4] =	wrdreg $0xC0  }
0xb3: {  	_ =	task [dreg:s11], $0x5FFFF  }
0xb4: {  	[dreg:$0x1] =	wrdreg $0xFFFFFFFF  }
0xb5: {  	[dreg:$0x0] =	wrdreg $0x60  }
0xb6: {  	[dreg:$0x2] =	wrdreg s4  }
0xb7: {  	[dreg:$0x3] =	wrdreg s5  }
0xb8: {  	[dreg:$0x4] =	wrdreg s16  }
0xb9: {  	[dreg:$0x5] =	wrdreg s17  }
0xba: {  	[dreg:$0x6] =	wrdreg s18  }
0xbb: {  	[dreg:$0x7] =	wrdreg $0x9  }
0xbc: {  	_ =	task.clear_ibuf [dreg:s11], $0x8FFFF;
	_ =	strace $0x90000046  }
0xbd: {  	s29 =	simm.s32 $0x9;
	_ =	strace $0x80000048  }
0xbe: {  	_ =	swait.ge [sflag:s29], $0x1  }
0xbf: {  	[sflag:s29] =	ssyncadd.s32 $0xFFFFFFFF  }
0xc0: {  	_ =	strace $0x90000048  }
0xc1: {  	_ =	sfence  }
0xc2: {  	s30 =	sld [smem:$0x0];
	_ =	sdelay $0x2  }
0xc3: {  	s31 =	sshll.u32 s1, $0xD;
	s1 =	sshrl.u32 s1, $0x2  }
0xc4: {  	s3 =	sand.u32 $0x4000, s31;
	s1 =	sadd.s32 s1, s30  }
0xc5: {  	s0 =	sor.u32 s3, s0;
	s1 =	sshll.u32 s1, $0x11  }
0xc6: {  	s0 =	sor.u32 s1, s0  }
0xc7: {  	s0 =	sadd.s32 $0x8F2B, s0  }
0xc8: {  	[sflag:s0] =	ssyncadd.remote.s32 $0x1  }
0xc9: {  	_ =	sfence.sel $0xFFFF  }
0xca: {  	[dreg:$0x0] =	wrdreg $0xFFFFFFFF;
	(pc) =	sbr.abs _section_cstart, $3  }
0xcb: {  	[dreg:$0x1] =	wrdreg $0xFFFFFFFF  }
0xcc: {  	_ =	task.clear_ibuf [dreg:s11], $0x2FFFF;
	_ =	strace $0x9FFFFFFF  }
0xcd: {  	(tm) =	ssettm $0x7FFFFFFF  }
tec
execute0_lowered:
.L_overlay_start_1:
0x0: {  	(tag) =	ssettag $0x1  }
0x1: {  	s8 =	rddreg [dreg:$0x0]  }
0x2: {  	s3 =	rddreg [dreg:$0x1]  }
0x3: {  	s0 =	rddreg [dreg:$0x2]  }
0x4: {  	s1 =	rddreg [dreg:$0x3]  }
0x5: {  	s4 =	rddreg [dreg:$0x4];
	s7 =	stileid.u32  }
0x6: {  	s5 =	srdreg.scid;
	s2 =	simm.s32 $0x0;
	s29 =	simm.s32 $0x100  }
0x7: {  	s31 =	simm.s32 $0xD;
	s25 =	simm.s32 $0x180;
	s14 =	simm.s32 $0x2  }
0x8: {  	s30 =	simm.s32 $0x3;
	s26 =	simm.s32 $0x4;
	p0 =	por $0x0, $0x0  }
0x9: {  	s28 =	simm.s32 $0x5;
	s15 =	simm.s32 $0xB;
	s13 =	simm.s32 $0xC  }
0xa: {  	s6 =	sshll.u32 s7, $0x1;
	s5 =	sand.u32 $0x1, s5;
	[smem:$0x7FF] =	sst s2  }
0xb: {  	s7 =	sshrl.u32 s7, $0x3;
	s6 =	sand.u32 $0xE, s6;
	_ =	strace $0x80000047  }
0xc: {  	s10 =	sshll.u32 s7, $0x4;
	s7 =	sshll.u32 s7, $0x11;
	s6 =	sor.u32 s5, s6  }
0xd: {  	s0 =	sadd.s32 s0, s10;
	s5 =	ssub.s32 $0x2, s5;
	s10 =	simm.s32 $0x4200  }
0xe: {  	s9 =	sshll.u32 s6, $0xD;
	s6 =	sshll.u32 s6, $0x7;
	s21 =	sshrl.u32 s5, $0x1  }
0xf: {  	s0 =	sadd.s32 s6, s0;
	s16 =	sor.u32 s7, s9;
	s23 =	ssub.s32 s5, s21  }
0x10: {  	s21 =	simm.s32 $0xC200;
	s5 =	simm.s32 $0x7;
	[dreg:$0x6] =	wrdreg s0  }
0x11: {  	s17 =	sadd.s32 s1, s16;
	s7 =	sor.u32 $0x800, s16;
	s19 =	sor.u32 $0x1000, s16  }
0x12: {  	s12 =	sor.u32 $0x1800, s16;
	s11 =	sadd.s32 s4, s16;
	s24 =	smax.u32 s23, $0x1  }
0x13: {  	s23 =	simm.s32 $0x8200;
	s16 =	simm.s32 $0x1;
	[dreg:$0x7] =	wrdreg s17  }
0x14: {  	s18 =	sadd.s32 s1, s7;
	s20 =	sadd.s32 s1, s19;
	s22 =	sadd.s32 s1, s12  }
0x15: {  	s9 =	sadd.s32 s4, s7;
	s7 =	sadd.s32 s4, s19;
	p1 =	sne.s32 s24, $0x1  }
.Ltmp0:
0x16: {  	s6 =	sadd.s32 s4, s12;
	s1 =	rddreg [dreg:$0x6];
	(pc) =	sbr.rel @!p1 .LBB2_3-.Ltmp0, $4  }
0x17: {  	s12 =	simm.s32 $0x200;
	s4 =	simm.s32 $0x8;
	[dreg:$0x8] =	wrdreg s18  }
0x18: {  	s0 =	sadd.s32 $0xFFFFFFFF, s24;
	s24 =	simm.s32 $0x6;
	[dreg:$0x9] =	wrdreg s20  }
0x19: {  	s19 =	simm.s32 $0x9;
	s17 =	simm.s32 $0xA;
	[dreg:$0xa] =	wrdreg s22  }
0x1a: {  	s22 =	simm.s32 $0x80;
	s20 =	simm.s32 $0x10200;
	s18 =	simm.s32 $0x14200  }
0x1b: {  	[tilespmem:s2], [sflag:$0xD] =	stream.strided.gather [hbm4b:s1+s22], $0x200, s29, s22, $0x38;
	[tilespmem:$0x18200] =	vst v63  }
0x1c: {  	_ =	swait.ge [sflag:s31], $0x200  }
0x1d: {  	[sflag:s31] =	ssyncset.done $0x0  }
0x1e: {  	[sflag:s31] =	ssyncadd.s32 $0xFFFFFE00  }
0x1f: {  	[tilespmem:s12], [sflag:$0x1] =	stream.indirect.gather [hbm4b:s8+s22], $0x80, s2, s22, $0xb8;
	[tilespmem:$0x18200] =	vst v63  }
0x20: {  	_ = 	snop  }
0x21: {  	[tilespmem:s10], [sflag:$0x2] =	stream.indirect.gather [hbm4b:s8+s22], $0x80, s22, s22, $0xb8;
	[tilespmem:$0x18200] =	vst v63  }
0x22: {  	_ = 	snop  }
0x23: {  	[tilespmem:s23], [sflag:$0x3] =	stream.indirect.gather [hbm4b:s8+s22], $0x80, s29, s22, $0xb8;
	[tilespmem:$0x18200] =	vst v63  }
0x24: {  	_ = 	snop  }
0x25: {  	[tilespmem:s21], [sflag:$0x4] =	stream.indirect.gather [hbm4b:s8+s22], $0x80, s25, s22, $0xb8;
	[tilespmem:$0x18200] =	vst v63  }
0x26: {  	_ = 	snop  }
0x27: {  	[tilespmem:s20], [sflag:$0x5] =	stream.indirect.gather [hbm4b:s3+s22], $0x80, s2, s22, $0xb8;
	[tilespmem:$0x18200] =	vst v63  }
0x28: {  	_ = 	snop  }
0x29: {  	[tilespmem:s18], [sflag:$0x6] =	stream.indirect.gather [hbm4b:s3+s22], $0x80, s22, s22, $0xb8;
	[tilespmem:$0x18200] =	vst v63  }
0x2a: {  	_ =	swait.ge [sflag:s16], $0x4000  }
0x2b: {  	[sflag:s16] =	ssyncset.done $0x0  }
0x2c: {  	s1 =	rddreg [dreg:$0x7];
	[sflag:s16] =	ssyncadd.s32 $0xFFFFC000  }
0x2d: {  	[hbm4b:s1+s2] =	stream.linear.scatter [tilespmem:s12], [sflag:$0x7], $0x4000, $0x38;
	[tilespmem:$0x18200] =	vst v63  }
0x2e: {  	_ =	swait.ge [sflag:s5], $0x4000  }
0x2f: {  	[sflag:s5] =	ssyncset.done $0x0  }
0x30: {  	[sflag:s5] =	ssyncadd.s32 $0xFFFFC000  }
0x31: {  	[tilespmem:s12], [sflag:$0x1] =	stream.indirect.gather [hbm4b:s3+s22], $0x80, s29, s22, $0xb8;
	[tilespmem:$0x18200] =	vst v63  }
0x32: {  	_ =	swait.ge [sflag:s14], $0x4000  }
0x33: {  	[sflag:s14] =	ssyncset.done $0x0  }
0x34: {  	s1 =	rddreg [dreg:$0x8];
	[sflag:s14] =	ssyncadd.s32 $0xFFFFC000  }
0x35: {  	[hbm4b:s1+s2] =	stream.linear.scatter [tilespmem:s10], [sflag:$0x8], $0x4000, $0x38;
	[tilespmem:$0x18200] =	vst v63  }
0x36: {  	_ =	swait.ge [sflag:s4], $0x4000  }
0x37: {  	[sflag:s4] =	ssyncset.done $0x0  }
0x38: {  	[sflag:s4] =	ssyncadd.s32 $0xFFFFC000  }
0x39: {  	[tilespmem:s10], [sflag:$0x2] =	stream.indirect.gather [hbm4b:s3+s22], $0x80, s25, s22, $0xb8;
	[tilespmem:$0x18200] =	vst v63  }
0x3a: {  	_ =	swait.ge [sflag:s30], $0x4000  }
0x3b: {  	[sflag:s30] =	ssyncset.done $0x0  }
0x3c: {  	s1 =	rddreg [dreg:$0x9];
	[sflag:s30] =	ssyncadd.s32 $0xFFFFC000  }
0x3d: {  	[hbm4b:s1+s2] =	stream.linear.scatter [tilespmem:s23], [sflag:$0x9], $0x4000, $0x38;
	[tilespmem:$0x18200] =	vst v63  }
0x3e: {  	_ =	swait.ge [sflag:s26], $0x4000  }
0x3f: {  	[sflag:s26] =	ssyncset.done $0x0  }
0x40: {  	s1 =	rddreg [dreg:$0xa];
	[sflag:s26] =	ssyncadd.s32 $0xFFFFC000  }
0x41: {  	[hbm4b:s1+s2] =	stream.linear.scatter [tilespmem:s21], [sflag:$0xA], $0x4000, $0x38;
	[tilespmem:$0x18200] =	vst v63  }
0x42: {  	_ =	swait.ge [sflag:s28], $0x4000  }
0x43: {  	[sflag:s28] =	ssyncset.done $0x0  }
0x44: {  	[sflag:s28] =	ssyncadd.s32 $0xFFFFC000  }
0x45: {  	[hbm4b:s11+s2] =	stream.linear.scatter [tilespmem:s20], [sflag:$0xB], $0x4000, $0x38;
	[tilespmem:$0x18200] =	vst v63  }
0x46: {  	_ =	swait.ge [sflag:s24], $0x4000  }
0x47: {  	[sflag:s24] =	ssyncset.done $0x0  }
0x48: {  	[sflag:s24] =	ssyncadd.s32 $0xFFFFC000  }
0x49: {  	[hbm4b:s9+s2] =	stream.linear.scatter [tilespmem:s18], [sflag:$0xC], $0x4000, $0x38;
	[tilespmem:$0x18200] =	vst v63  }
0x4a: {  	_ =	swait.ge [sflag:s16], $0x4000  }
0x4b: {  	[sflag:s16] =	ssyncset.done $0x0  }
0x4c: {  	[sflag:s16] =	ssyncadd.s32 $0xFFFFC000  }
0x4d: {  	[hbm4b:s7+s2] =	stream.linear.scatter [tilespmem:s12], [sflag:$0x7], $0x4000, $0x38;
	[tilespmem:$0x18200] =	vst v63  }
0x4e: {  	_ =	swait.ge [sflag:s14], $0x4000  }
0x4f: {  	[sflag:s14] =	ssyncset.done $0x0  }
0x50: {  	[sflag:s14] =	ssyncadd.s32 $0xFFFFC000  }
0x51: {  	[hbm4b:s6+s2] =	stream.linear.scatter [tilespmem:s10], [sflag:$0x8], $0x4000, $0x38;
	[tilespmem:$0x18200] =	vst v63  }
0x52: {  	_ =	swait.ge [sflag:s19], $0x4000  }
0x53: {  	[sflag:s19] =	ssyncset.done $0x0  }
0x54: {  	[sflag:s19] =	ssyncadd.s32 $0xFFFFC000  }
0x55: {  	_ =	swait.ge [sflag:s17], $0x4000  }
0x56: {  	[sflag:s17] =	ssyncset.done $0x0  }
0x57: {  	[sflag:s17] =	ssyncadd.s32 $0xFFFFC000  }
0x58: {  	_ =	swait.ge [sflag:s15], $0x4000  }
0x59: {  	[sflag:s15] =	ssyncset.done $0x0  }
0x5a: {  	[sflag:s15] =	ssyncadd.s32 $0xFFFFC000  }
0x5b: {  	_ =	swait.ge [sflag:s13], $0x4000  }
0x5c: {  	[sflag:s13] =	ssyncset.done $0x0  }
0x5d: {  	p1 =	sne.s32 s0, $0x1;
	[sflag:s13] =	ssyncadd.s32 $0xFFFFC000  }
.Ltmp1:
0x5e: {  	_ =	swait.ge [sflag:s5], $0x4000;
	(pc) =	sbr.rel @!p1 .LBB2_3-.Ltmp1, $4  }
0x5f: {  	[sflag:s5] =	ssyncset.done $0x0  }
0x60: {  	[sflag:s5] =	ssyncadd.s32 $0xFFFFC000  }
0x61: {  	s0 =	sadd.s32 $0xFFFFFFFF, s0;
	_ =	swait.ge [sflag:s4], $0x4000  }
0x62: {  	p0 =	por $0x1, $0x1;
	s1 =	rddreg [dreg:$0x6];
	[sflag:s4] =	ssyncset.done $0x0  }
.LBB2_2:
0x63: {  	[sflag:s4] =	ssyncadd.s32 $0xFFFFC000  }
0x64: {  	[tilespmem:s2], [sflag:$0xD] =	stream.strided.gather [hbm4b:s1+s22], $0x200, s29, s22, $0x38;
	[tilespmem:$0x18200] =	vst v63  }
0x65: {  	_ =	swait.ge [sflag:s31], $0x200  }
0x66: {  	[sflag:s31] =	ssyncset.done $0x0  }
0x67: {  	[sflag:s31] =	ssyncadd.s32 $0xFFFFFE00  }
0x68: {  	[tilespmem:s12], [sflag:$0x1] =	stream.indirect.gather [hbm4b:s8+s22], $0x80, s2, s22, $0xb8;
	[tilespmem:$0x18200] =	vst v63  }
0x69: {  	_ = 	snop  }
0x6a: {  	[tilespmem:s10], [sflag:$0x2] =	stream.indirect.gather [hbm4b:s8+s22], $0x80, s22, s22, $0xb8;
	[tilespmem:$0x18200] =	vst v63  }
0x6b: {  	_ = 	snop  }
0x6c: {  	[tilespmem:s23], [sflag:$0x3] =	stream.indirect.gather [hbm4b:s8+s22], $0x80, s29, s22, $0xb8;
	[tilespmem:$0x18200] =	vst v63  }
0x6d: {  	_ = 	snop  }
0x6e: {  	[tilespmem:s21], [sflag:$0x4] =	stream.indirect.gather [hbm4b:s8+s22], $0x80, s25, s22, $0xb8;
	[tilespmem:$0x18200] =	vst v63  }
0x6f: {  	_ = 	snop  }
0x70: {  	[tilespmem:s20], [sflag:$0x5] =	stream.indirect.gather [hbm4b:s3+s22], $0x80, s2, s22, $0xb8;
	[tilespmem:$0x18200] =	vst v63  }
0x71: {  	_ = 	snop  }
0x72: {  	[tilespmem:s18], [sflag:$0x6] =	stream.indirect.gather [hbm4b:s3+s22], $0x80, s22, s22, $0xb8;
	[tilespmem:$0x18200] =	vst v63  }
0x73: {  	_ =	swait.ge [sflag:s16], $0x4000  }
0x74: {  	[sflag:s16] =	ssyncset.done $0x0  }
0x75: {  	s1 =	rddreg [dreg:$0x7];
	[sflag:s16] =	ssyncadd.s32 $0xFFFFC000  }
0x76: {  	[hbm4b:s1+s2] =	stream.linear.scatter [tilespmem:s12], [sflag:$0x7], $0x4000, $0x38;
	[tilespmem:$0x18200] =	vst v63  }
0x77: {  	_ =	swait.ge [sflag:s5], $0x4000  }
0x78: {  	[sflag:s5] =	ssyncset.done $0x0  }
0x79: {  	[sflag:s5] =	ssyncadd.s32 $0xFFFFC000  }
0x7a: {  	[tilespmem:s12], [sflag:$0x1] =	stream.indirect.gather [hbm4b:s3+s22], $0x80, s29, s22, $0xb8;
	[tilespmem:$0x18200] =	vst v63  }
0x7b: {  	_ =	swait.ge [sflag:s14], $0x4000  }
0x7c: {  	[sflag:s14] =	ssyncset.done $0x0  }
0x7d: {  	s1 =	rddreg [dreg:$0x8];
	[sflag:s14] =	ssyncadd.s32 $0xFFFFC000  }
0x7e: {  	[hbm4b:s1+s2] =	stream.linear.scatter [tilespmem:s10], [sflag:$0x8], $0x4000, $0x38;
	[tilespmem:$0x18200] =	vst v63  }
0x7f: {  	_ =	swait.ge [sflag:s4], $0x4000  }
0x80: {  	[sflag:s4] =	ssyncset.done $0x0  }
0x81: {  	[sflag:s4] =	ssyncadd.s32 $0xFFFFC000  }
0x82: {  	[tilespmem:s10], [sflag:$0x2] =	stream.indirect.gather [hbm4b:s3+s22], $0x80, s25, s22, $0xb8;
	[tilespmem:$0x18200] =	vst v63  }
0x83: {  	_ =	swait.ge [sflag:s30], $0x4000  }
0x84: {  	[sflag:s30] =	ssyncset.done $0x0  }
0x85: {  	s1 =	rddreg [dreg:$0x9];
	[sflag:s30] =	ssyncadd.s32 $0xFFFFC000  }
0x86: {  	[hbm4b:s1+s2] =	stream.linear.scatter [tilespmem:s23], [sflag:$0x9], $0x4000, $0x38;
	[tilespmem:$0x18200] =	vst v63  }
0x87: {  	_ =	swait.ge [sflag:s26], $0x4000  }
0x88: {  	[sflag:s26] =	ssyncset.done $0x0  }
0x89: {  	s1 =	rddreg [dreg:$0xa];
	[sflag:s26] =	ssyncadd.s32 $0xFFFFC000  }
0x8a: {  	[hbm4b:s1+s2] =	stream.linear.scatter [tilespmem:s21], [sflag:$0xA], $0x4000, $0x38;
	[tilespmem:$0x18200] =	vst v63  }
0x8b: {  	_ =	swait.ge [sflag:s28], $0x4000  }
0x8c: {  	[sflag:s28] =	ssyncset.done $0x0  }
0x8d: {  	[sflag:s28] =	ssyncadd.s32 $0xFFFFC000  }
0x8e: {  	[hbm4b:s11+s2] =	stream.linear.scatter [tilespmem:s20], [sflag:$0xB], $0x4000, $0x38;
	[tilespmem:$0x18200] =	vst v63  }
0x8f: {  	_ =	swait.ge [sflag:s24], $0x4000  }
0x90: {  	[sflag:s24] =	ssyncset.done $0x0  }
0x91: {  	[sflag:s24] =	ssyncadd.s32 $0xFFFFC000  }
0x92: {  	[hbm4b:s9+s2] =	stream.linear.scatter [tilespmem:s18], [sflag:$0xC], $0x4000, $0x38;
	[tilespmem:$0x18200] =	vst v63  }
0x93: {  	_ =	swait.ge [sflag:s16], $0x4000  }
0x94: {  	[sflag:s16] =	ssyncset.done $0x0  }
0x95: {  	[sflag:s16] =	ssyncadd.s32 $0xFFFFC000  }
0x96: {  	[hbm4b:s7+s2] =	stream.linear.scatter [tilespmem:s12], [sflag:$0x7], $0x4000, $0x38;
	[tilespmem:$0x18200] =	vst v63  }
0x97: {  	_ =	swait.ge [sflag:s14], $0x4000  }
0x98: {  	[sflag:s14] =	ssyncset.done $0x0  }
0x99: {  	[sflag:s14] =	ssyncadd.s32 $0xFFFFC000  }
0x9a: {  	[hbm4b:s6+s2] =	stream.linear.scatter [tilespmem:s10], [sflag:$0x8], $0x4000, $0x38;
	[tilespmem:$0x18200] =	vst v63  }
0x9b: {  	_ =	swait.ge [sflag:s19], $0x4000  }
0x9c: {  	[sflag:s19] =	ssyncset.done $0x0  }
0x9d: {  	[sflag:s19] =	ssyncadd.s32 $0xFFFFC000  }
0x9e: {  	_ =	swait.ge [sflag:s17], $0x4000  }
0x9f: {  	[sflag:s17] =	ssyncset.done $0x0  }
0xa0: {  	[sflag:s17] =	ssyncadd.s32 $0xFFFFC000  }
0xa1: {  	_ =	swait.ge [sflag:s15], $0x4000  }
0xa2: {  	[sflag:s15] =	ssyncset.done $0x0  }
0xa3: {  	[sflag:s15] =	ssyncadd.s32 $0xFFFFC000  }
0xa4: {  	_ =	swait.ge [sflag:s13], $0x4000  }
0xa5: {  	[sflag:s13] =	ssyncset.done $0x0  }
0xa6: {  	p1 =	sne.s32 s0, $0x1;
	[sflag:s13] =	ssyncadd.s32 $0xFFFFC000  }
.Ltmp2:
0xa7: {  	_ =	swait.ge [sflag:s5], $0x4000;
	(pc) =	sbr.rel @p1 .LBB2_2-.Ltmp2, $4  }
0xa8: {  	[sflag:s5] =	ssyncset.done $0x0  }
0xa9: {  	[sflag:s5] =	ssyncadd.s32 $0xFFFFC000  }
0xaa: {  	_ =	swait.ge [sflag:s4], $0x4000  }
0xab: {  	s0 =	sadd.s32 $0xFFFFFFFF, s0;
	s1 =	rddreg [dreg:$0x6];
	[sflag:s4] =	ssyncset.done $0x0  }
.LBB2_3:
0xac: {  	[sflag:s4] =	ssyncadd.s32 @p0 $0xFFFFC000  }
0xad: {  	[tilespmem:s2], [sflag:$0xD] =	stream.strided.gather [hbm4b:s1+s22], $0x200, s29, s22, $0x38;
	[tilespmem:$0x18200] =	vst v63  }
0xae: {  	_ =	swait.ge [sflag:s31], $0x200  }
0xaf: {  	[sflag:s31] =	ssyncset.done $0x0  }
0xb0: {  	[sflag:s31] =	ssyncadd.s32 $0xFFFFFE00  }
0xb1: {  	[tilespmem:s12], [sflag:$0x1] =	stream.indirect.gather [hbm4b:s8+s22], $0x80, s2, s22, $0xb8;
	[tilespmem:$0x18200] =	vst v63  }
0xb2: {  	_ = 	snop  }
0xb3: {  	[tilespmem:s10], [sflag:$0x2] =	stream.indirect.gather [hbm4b:s8+s22], $0x80, s22, s22, $0xb8;
	[tilespmem:$0x18200] =	vst v63  }
0xb4: {  	_ = 	snop  }
0xb5: {  	[tilespmem:s23], [sflag:$0x3] =	stream.indirect.gather [hbm4b:s8+s22], $0x80, s29, s22, $0xb8;
	[tilespmem:$0x18200] =	vst v63  }
0xb6: {  	_ = 	snop  }
0xb7: {  	[tilespmem:s21], [sflag:$0x4] =	stream.indirect.gather [hbm4b:s8+s22], $0x80, s25, s22, $0xb8;
	[tilespmem:$0x18200] =	vst v63  }
0xb8: {  	_ = 	snop  }
0xb9: {  	[tilespmem:s20], [sflag:$0x5] =	stream.indirect.gather [hbm4b:s3+s22], $0x80, s2, s22, $0xb8;
	[tilespmem:$0x18200] =	vst v63  }
0xba: {  	_ = 	snop  }
0xbb: {  	[tilespmem:s18], [sflag:$0x6] =	stream.indirect.gather [hbm4b:s3+s22], $0x80, s22, s22, $0xb8;
	[tilespmem:$0x18200] =	vst v63  }
0xbc: {  	_ =	swait.ge [sflag:s16], $0x4000  }
0xbd: {  	[sflag:s16] =	ssyncset.done $0x0  }
0xbe: {  	s0 =	rddreg [dreg:$0x7];
	[sflag:s16] =	ssyncadd.s32 $0xFFFFC000  }
0xbf: {  	[hbm4b:s0+s2] =	stream.linear.scatter [tilespmem:s12], [sflag:$0x7], $0x4000, $0x38;
	[tilespmem:$0x18200] =	vst v63  }
0xc0: {  	_ =	swait.ge [sflag:s5], $0x4000  }
0xc1: {  	[sflag:s5] =	ssyncset.done $0x0  }
0xc2: {  	[sflag:s5] =	ssyncadd.s32 $0xFFFFC000  }
0xc3: {  	[tilespmem:s12], [sflag:$0x1] =	stream.indirect.gather [hbm4b:s3+s22], $0x80, s29, s22, $0xb8;
	[tilespmem:$0x18200] =	vst v63  }
0xc4: {  	_ =	swait.ge [sflag:s14], $0x4000  }
0xc5: {  	[sflag:s14] =	ssyncset.done $0x0  }
0xc6: {  	s8 =	rddreg [dreg:$0x8];
	[sflag:s14] =	ssyncadd.s32 $0xFFFFC000  }
0xc7: {  	[hbm4b:s8+s2] =	stream.linear.scatter [tilespmem:s10], [sflag:$0x8], $0x4000, $0x38;
	[tilespmem:$0x18200] =	vst v63  }
0xc8: {  	_ =	swait.ge [sflag:s4], $0x4000  }
0xc9: {  	[sflag:s4] =	ssyncset.done $0x0  }
0xca: {  	[sflag:s4] =	ssyncadd.s32 $0xFFFFC000  }
0xcb: {  	[tilespmem:s10], [sflag:$0x2] =	stream.indirect.gather [hbm4b:s3+s22], $0x80, s25, s22, $0xb8;
	[tilespmem:$0x18200] =	vst v63  }
0xcc: {  	_ =	swait.ge [sflag:s30], $0x4000  }
0xcd: {  	[sflag:s30] =	ssyncset.done $0x0  }
0xce: {  	s29 =	rddreg [dreg:$0x9];
	[sflag:s30] =	ssyncadd.s32 $0xFFFFC000  }
0xcf: {  	[hbm4b:s29+s2] =	stream.linear.scatter [tilespmem:s23], [sflag:$0x9], $0x4000, $0x38;
	[tilespmem:$0x18200] =	vst v63  }
0xd0: {  	_ =	swait.ge [sflag:s26], $0x4000  }
0xd1: {  	[sflag:s26] =	ssyncset.done $0x0  }
0xd2: {  	s30 =	rddreg [dreg:$0xa];
	[sflag:s26] =	ssyncadd.s32 $0xFFFFC000  }
0xd3: {  	[hbm4b:s30+s2] =	stream.linear.scatter [tilespmem:s21], [sflag:$0xA], $0x4000, $0x38;
	[tilespmem:$0x18200] =	vst v63  }
0xd4: {  	_ =	swait.ge [sflag:s28], $0x4000  }
0xd5: {  	[sflag:s28] =	ssyncset.done $0x0  }
0xd6: {  	[sflag:s28] =	ssyncadd.s32 $0xFFFFC000  }
0xd7: {  	[hbm4b:s11+s2] =	stream.linear.scatter [tilespmem:s20], [sflag:$0xB], $0x4000, $0x38;
	[tilespmem:$0x18200] =	vst v63  }
0xd8: {  	_ =	swait.ge [sflag:s24], $0x4000  }
0xd9: {  	[sflag:s24] =	ssyncset.done $0x0  }
0xda: {  	[sflag:s24] =	ssyncadd.s32 $0xFFFFC000  }
0xdb: {  	[hbm4b:s9+s2] =	stream.linear.scatter [tilespmem:s18], [sflag:$0xC], $0x4000, $0x38;
	[tilespmem:$0x18200] =	vst v63  }
0xdc: {  	_ =	swait.ge [sflag:s16], $0x4000  }
0xdd: {  	[sflag:s16] =	ssyncset.done $0x0  }
0xde: {  	[sflag:s16] =	ssyncadd.s32 $0xFFFFC000  }
0xdf: {  	[hbm4b:s7+s2] =	stream.linear.scatter [tilespmem:s12], [sflag:$0x7], $0x4000, $0x38;
	[tilespmem:$0x18200] =	vst v63  }
0xe0: {  	_ =	swait.ge [sflag:s14], $0x4000  }
0xe1: {  	[sflag:s14] =	ssyncset.done $0x0  }
0xe2: {  	[sflag:s14] =	ssyncadd.s32 $0xFFFFC000  }
0xe3: {  	[hbm4b:s6+s2] =	stream.linear.scatter [tilespmem:s10], [sflag:$0x8], $0x4000, $0x38;
	[tilespmem:$0x18200] =	vst v63  }
0xe4: {  	_ =	swait.ge [sflag:s19], $0x4000  }
0xe5: {  	[sflag:s19] =	ssyncset.done $0x0  }
0xe6: {  	[sflag:s19] =	ssyncadd.s32 $0xFFFFC000  }
0xe7: {  	_ =	swait.ge [sflag:s17], $0x4000  }
0xe8: {  	[sflag:s17] =	ssyncset.done $0x0  }
0xe9: {  	[sflag:s17] =	ssyncadd.s32 $0xFFFFC000  }
0xea: {  	_ =	swait.ge [sflag:s15], $0x4000  }
0xeb: {  	[sflag:s15] =	ssyncset.done $0x0  }
0xec: {  	[sflag:s15] =	ssyncadd.s32 $0xFFFFC000  }
0xed: {  	_ =	swait.ge [sflag:s13], $0x4000  }
0xee: {  	[sflag:s13] =	ssyncset.done $0x0  }
0xef: {  	[sflag:s13] =	ssyncadd.s32 $0xFFFFC000  }
0xf0: {  	_ =	swait.ge [sflag:s5], $0x4000  }
0xf1: {  	[sflag:s5] =	ssyncset.done $0x0  }
0xf2: {  	[sflag:s5] =	ssyncadd.s32 $0xFFFFC000  }
0xf3: {  	_ =	swait.ge [sflag:s4], $0x4000  }
0xf4: {  	[sflag:s4] =	ssyncset.done $0x0  }
0xf5: {  	[sflag:s4] =	ssyncadd.s32 $0xFFFFC000  }
0xf6: {  	_ =	sfence.sel $0x180000  }
0xf7: {  	[bflag:$0x0] =	sbarrier.arrive $0xFFFF  }
0xf8: {  	_ =	strace $0x90000047  }
0xf9: {  	s31 =	stileid.u32;
	[bflag:$0x2] =	sbarrier.arrive $0xFFFF  }
0xfa: {  	p0 =	sne.s32 s31, $0x0;
	s0 =	rddreg [dreg:$0x5]  }
0xfb: {  	s0 =	sadd.s32 @!p0 $0x100000, s0  }
0xfc: {  	[sflag:s0] =	ssyncadd.tile.s32 @!p0 $0x1;
	_ =	shalt  }
.Lfunc_end2:
_tile_overlayer_lowered:
.L_overlay_start_2:
0xfd: {  	(tag) =	ssettag $0x2  }
0xfe: {  	s0 =	rddreg [dreg:$0x0];
	s2 =	stileid.u32  }
0xff: {  	s1 =	rddreg [dreg:$0x1];
	p0 =	sne.s32 s2, $0x0  }
0x100: {  	s3 =	rddreg [dreg:$0x2];
	[bflag:$0x3] =	sbarrier.arrive $0xFFFF;
	s2 =	simm.s32 @!p0 $0x1C0D  }
0x101: {  	[timem:s3], [sflag:s2] =	dma.local @!p0 [hbm:s0], s1  }
0x102: {  	s0 =	simm.s32 @!p0 $0xD  }
0x103: {  	_ =	swait.ge @!p0 [sflag:s0], s1  }
0x104: {  	s1 =	ssub.s32 @!p0 $0x0, s1;
	[sflag:s0] =	ssyncset.done @!p0 $0x0  }
0x105: {  	[sflag:s0] =	ssyncadd.s32 @!p0 s1  }
0x106: {  	[bflag:$0x3] =	sbarrier.arrive $0xFFFF  }
0x107: {  	_ =	shalt  }

</sc_bundles>
